<compile_context>
chip_gen: v7x
topology: tpu7x:2x2x1
jax: 0.10.2.dev20260603
libtpu: 0.0.44.dev20260713+nightly
codegen_flags: <defaults>
</compile_context>

<pallas_src>
import functools

import numpy as np
import jax
import jax.numpy as jnp
from jax import lax
from jax.experimental import pallas as pl
from jax.experimental.pallas import tpu as pltpu
from jax.experimental.pallas import tpu_sc as plsc

_B = 256
_C = 3
_H = 224
_Wd = 224
_RH = 18
_RW = 18
_K = 9
_OH = 16
_OW = 16
_NW = 32
_BPW = _B // _NW
_RSTRIDE = 32
_PLANE = _RH * _RSTRIDE
_IMG = _C * _PLANE
_OFFS = 2 * _K * _OH * _OW
_MSKS = _K * _OH * _OW
_OUTS = _OH * _OW


def _interp_plan(out_n, in_n):
    s = in_n / out_n
    pos = np.maximum((np.arange(out_n) + 0.5) * s - 0.5, 0.0)
    i0 = np.floor(pos).astype(np.int32)
    i1 = np.minimum(i0 + 1, in_n - 1)
    f = (pos - i0).astype(np.float32)
    return i0, i1, f


def _consts():
    _, _, fy = _interp_plan(_RH, _H)
    rw = np.zeros((64,), np.float32)
    rw[:_RH] = 1.0 - fy
    rw[32:32 + _RH] = fy
    x0, x1, fx = _interp_plan(_RW, _Wd)
    coli = np.zeros((64,), np.int32)
    colw = np.zeros((64,), np.float32)
    coli[:_RW] = x0
    coli[32:32 + _RW] = x1
    colw[:_RW] = 1.0 - fx
    colw[32:32 + _RW] = fx
    return rw, coli, colw


_XSZ = 2 * _RH * _C * _Wd


def _fused_sc(xsel, off_flat, mask_flat, w_pad, rw, coli, colw):
    mesh = plsc.VectorSubcoreMesh(core_axis_name="c", subcore_axis_name="s")

    @functools.partial(
        pl.kernel,
        mesh=mesh,
        compiler_params=pltpu.CompilerParams(needs_layout_passes=False),
        out_type=jax.ShapeDtypeStruct((_B * _OUTS,), jnp.float32),
        scratch_types=[
            pltpu.VMEM((_C * _RH * 2 * _Wd,), jnp.float32),
            pltpu.VMEM((_IMG,), jnp.float32),
            pltpu.VMEM((_BPW * _OFFS,), jnp.float32),
            pltpu.VMEM((_BPW * _MSKS,), jnp.float32),
            pltpu.VMEM((32,), jnp.float32),
            pltpu.VMEM((64,), jnp.float32),
            pltpu.VMEM((64,), jnp.int32),
            pltpu.VMEM((64,), jnp.float32),
            pltpu.VMEM((_BPW * _OUTS,), jnp.float32),
            pltpu.SemaphoreType.DMA,
        ],
    )
    def _fused(x_hbm, off_hbm, mask_hbm, w_hbm, rw_hbm,
               coli_hbm, colw_hbm, out_hbm,
               rows_v, inp_v, off_v, mask_v, w_v,
               rw_v, coli_v, colw_v, out_v, sem):
        wid = lax.axis_index("s") * 2 + lax.axis_index("c")
        pltpu.sync_copy(
            off_hbm.at[pl.ds(wid * (_BPW * _OFFS), _BPW * _OFFS)], off_v)
        pltpu.sync_copy(
            mask_hbm.at[pl.ds(wid * (_BPW * _MSKS), _BPW * _MSKS)], mask_v)
        pltpu.sync_copy(w_hbm, w_v)
        pltpu.sync_copy(rw_hbm, rw_v)
        pltpu.sync_copy(coli_hbm, coli_v)
        pltpu.sync_copy(colw_hbm, colw_v)

        lanes_i = lax.iota(jnp.int32, 16)
        lanes_f = lanes_i.astype(jnp.float32)
        zero16 = jnp.zeros((16,), jnp.float32)
        one16 = jnp.ones((16,), jnp.float32)
        zero16i = jnp.zeros((16,), jnp.int32)
        cidx0 = [coli_v[pl.ds(16 * h, 16)] for h in range(2)]
        cidx1 = [coli_v[pl.ds(32 + 16 * h, 16)] for h in range(2)]
        cw0 = [colw_v[pl.ds(16 * h, 16)] for h in range(2)]
        cw1 = [colw_v[pl.ds(32 + 16 * h, 16)] for h in range(2)]

        def body_b(i, c0):
            b = wid * _BPW + i

            pltpu.sync_copy(x_hbm.at[pl.ds(b * _XSZ, _XSZ)], rows_v)

            def bct(ct, cc):
                c = ct // _RH
                t = ct % _RH
                w0s = plsc.load_gather(rw_v, [zero16i + t])
                w1s = plsc.load_gather(rw_v, [zero16i + (32 + t)])
                base = ct * (2 * _Wd)
                obase = c * _PLANE + t * _RSTRIDE
                for h in range(2):
                    a0 = plsc.load_gather(rows_v, [cidx0[h] + base])
                    a1 = plsc.load_gather(rows_v, [cidx1[h] + base])
                    b0 = plsc.load_gather(rows_v, [cidx0[h] + (base + _Wd)])
                    b1 = plsc.load_gather(rows_v, [cidx1[h] + (base + _Wd)])
                    inp_v[pl.ds(obase + 16 * h, 16)] = (
                        w0s * (cw0[h] * a0 + cw1[h] * a1)
                        + w1s * (cw0[h] * b0 + cw1[h] * b1))
                return cc
            lax.fori_loop(0, _C * _RH, bct, 0)

            def body_v(v, c1):
                def body_k(k, acc):
                    ki = k // 3
                    kj = k % 3
                    obase = i * _OFFS + 2 * k * _OUTS + v * _OW
                    dy = off_v[pl.ds(obase, 16)]
                    dx = off_v[pl.ds(obase + _OUTS, 16)]
                    m = mask_v[pl.ds(i * _MSKS + k * _OUTS + v * _OW, 16)]
                    yy = dy + (v + ki).astype(jnp.float32)
                    xx = dx + kj.astype(jnp.float32) + lanes_f
                    ty = yy.astype(jnp.int32)
                    y0 = ty - jnp.where(ty.astype(jnp.float32) > yy, 1, 0)
                    fy = yy - y0.astype(jnp.float32)
                    tx = xx.astype(jnp.int32)
                    x0 = tx - jnp.where(tx.astype(jnp.float32) > xx, 1, 0)
                    fx = xx - x0.astype(jnp.float32)
                    y1 = y0 + 1
                    x1 = x0 + 1
                    vy0 = jnp.where((y0 >= 0) & (y0 < _RH), one16, zero16)
                    vy1 = jnp.where((y1 >= 0) & (y1 < _RH), one16, zero16)
                    vx0 = jnp.where((x0 >= 0) & (x0 < _RW), one16, zero16)
                    vx1 = jnp.where((x1 >= 0) & (x1 < _RW), one16, zero16)
                    cy0 = jnp.clip(y0, 0, _RH - 1)
                    cy1 = jnp.clip(y1, 0, _RH - 1)
                    cx0 = jnp.clip(x0, 0, _RW - 1)
                    cx1 = jnp.clip(x1, 0, _RW - 1)
                    gy0 = vy0 * (1.0 - fy)
                    gy1 = vy1 * fy
                    gx0 = vx0 * (1.0 - fx)
                    gx1 = vx1 * fx
                    w00 = gy0 * gx0
                    w01 = gy0 * gx1
                    w10 = gy1 * gx0
                    w11 = gy1 * gx1
                    r0 = cy0 * _RSTRIDE
                    r1 = cy1 * _RSTRIDE
                    i00 = r0 + cx0
                    i01 = r0 + cx1
                    i10 = r1 + cx0
                    i11 = r1 + cx1
                    tot = zero16
                    for c in range(_C):
                        base = c * _PLANE
                        v00 = plsc.load_gather(inp_v, [i00 + base])
                        v01 = plsc.load_gather(inp_v, [i01 + base])
                        v10 = plsc.load_gather(inp_v, [i10 + base])
                        v11 = plsc.load_gather(inp_v, [i11 + base])
                        s = w00 * v00 + w01 * v01 + w10 * v10 + w11 * v11
                        wk = plsc.load_gather(
                            w_v, [jnp.full((16,), c * _K + k, jnp.int32)])
                        tot = tot + wk * s
                    return acc + m * tot

                acc = lax.fori_loop(0, _K, body_k, zero16)
                out_v[pl.ds(i * _OUTS + v * _OW, 16)] = acc
                return c1

            lax.fori_loop(0, _OH, body_v, 0)
            return c0

        lax.fori_loop(0, _BPW, body_b, 0)
        pltpu.sync_copy(out_v, out_hbm.at[pl.ds(wid * (_BPW * _OUTS), _BPW * _OUTS)])

    return _fused(xsel, off_flat, mask_flat, w_pad, rw, coli, colw)


def kernel(x, offset, mask, W):
    rw, coli, colw = _consts()
    y0, y1, _ = _interp_plan(_RH, _H)
    rows36 = jnp.asarray(np.stack([y0, y1], axis=1).reshape(-1))
    xsel = jnp.take(x, rows36, axis=2).reshape(_B * _XSZ)
    out_flat = _fused_sc(
        xsel,
        offset.reshape(_B * _OFFS),
        mask.reshape(_B * _MSKS),
        jnp.pad(W.reshape(_C * _K), (0, 32 - _C * _K)),
        jnp.asarray(rw),
        jnp.asarray(coli),
        jnp.asarray(colw),
    )
    return out_flat.reshape(_B, 1, _OH, _OW)

# --- scband reference (transcript-rebuilt; emitter-appended) ---
"""Pipeline reference for scband-test-model-38233798869345 (READ-ONLY COPY).

The authoritative reference and input builder live on the scoring server;
editing this copy changes nothing except your own understanding.
"""

import jax, jax.numpy as jnp
import numpy as np

KH = KW = 3
RH = RW = 18

def setup_inputs(seed: int = 0) -> dict:
    key = jax.random.key(seed)
    k1, k2, k3, k4 = jax.random.split(key, 4)
    B = 256
    x = jax.random.normal(k1, (B, 3, 224, 224), dtype=jnp.float32)
    offset = jax.random.normal(k2, (B, 2 * KH * KW, 16, 16), dtype=jnp.float32)
    mask = jax.random.uniform(k3, (B, KH * KW, 16, 16), dtype=jnp.float32)
    W = jax.random.uniform(k4, (1, 3, KH, KW), dtype=jnp.float32)
    return {"x": x, "offset": offset, "mask": mask, "W": W}


def _resize_bilinear(img, out_h, out_w):
    # PyTorch F.interpolate(mode='bilinear', align_corners=False)
    B, C, H, Wd = img.shape
    sy = H / out_h
    sx = Wd / out_w
    ys = jnp.maximum((jnp.arange(out_h, dtype=jnp.float32) + 0.5) * sy - 0.5, 0.0)
    xs = jnp.maximum((jnp.arange(out_w, dtype=jnp.float32) + 0.5) * sx - 0.5, 0.0)
    y0 = jnp.floor(ys).astype(jnp.int32)
    y1 = jnp.minimum(y0 + 1, H - 1)
    fy = (ys - y0.astype(jnp.float32))[None, None, :, None]
    x0 = jnp.floor(xs).astype(jnp.int32)
    x1 = jnp.minimum(x0 + 1, Wd - 1)
    fx = (xs - x0.astype(jnp.float32))[None, None, None, :]
    r0 = jnp.take(img, y0, axis=2)
    r1 = jnp.take(img, y1, axis=2)
    a = jnp.take(r0, x0, axis=3) * (1.0 - fx) + jnp.take(r0, x1, axis=3) * fx
    b = jnp.take(r1, x0, axis=3) * (1.0 - fx) + jnp.take(r1, x1, axis=3) * fx
    return a * (1.0 - fy) + b * fy


def _deform_conv2d(inp, offset, weight, mask):
    # torchvision.ops.deform_conv2d, stride=1, padding=0, dilation=1, groups=1, offset_groups=1
    B, C, H, Wd = inp.shape
    Co, Ci, kh, kw = weight.shape
    K = kh * kw
    oh, ow = H - kh + 1, Wd - kw + 1
    ki = jnp.repeat(jnp.arange(kh), kw).astype(jnp.float32)  # [K]
    kj = jnp.tile(jnp.arange(kw), kh).astype(jnp.float32)    # [K]
    base_y = jnp.arange(oh, dtype=jnp.float32)[None, :, None] + ki[:, None, None]  # [K,oh,1]
    base_x = jnp.arange(ow, dtype=jnp.float32)[None, None, :] + kj[:, None, None]  # [K,1,ow]
    off = offset.reshape(B, K, 2, oh, ow)  # channel 2k -> dy, 2k+1 -> dx
    yy = base_y[None] + off[:, :, 0]  # [B,K,oh,ow]
    xx = base_x[None] + off[:, :, 1]
    img_flat = inp.reshape(B, C, H * Wd)

    def gather(yi, xi):
        valid = (yi >= 0) & (yi < H) & (xi >= 0) & (xi < Wd)
        yc = jnp.clip(yi, 0, H - 1)
        xc = jnp.clip(xi, 0, Wd - 1)
        flat = (yc * Wd + xc).reshape(B, -1)  # [B, K*oh*ow]
        vals = jax.vmap(lambda im, f: im[:, f])(img_flat, flat)  # [B,C,K*oh*ow]
        vals = vals.reshape(B, C, K, oh, ow)
        return vals * valid.reshape(B, 1, K, oh, ow).astype(inp.dtype)

    y0 = jnp.floor(yy).astype(jnp.int32)
    x0 = jnp.floor(xx).astype(jnp.int32)
    fy = (yy - y0.astype(jnp.float32))[:, None]  # [B,1,K,oh,ow]
    fx = (xx - x0.astype(jnp.float32))[:, None]
    v00 = gather(y0, x0)
    v01 = gather(y0, x0 + 1)
    v10 = gather(y0 + 1, x0)
    v11 = gather(y0 + 1, x0 + 1)
    samp = (v00 * (1 - fy) * (1 - fx) + v01 * (1 - fy) * fx
            + v10 * fy * (1 - fx) + v11 * fy * fx)
    samp = samp * mask[:, None]  # [B,C,K,oh,ow]
    wflat = weight.reshape(Co, Ci, K)
    return jnp.einsum('ock,bckhw->bohw', wflat, samp)


def reference(x, offset, mask, W):
    inp = _resize_bilinear(x, RH, RW)
    return _deform_conv2d(inp, offset, W, mask)

if __name__ == "__main__":
    import jax
    _d = setup_inputs()
    print(jax.jit(kernel)(*tuple(_d.values())))

</pallas_src>

<mosaic_0001>
#map = affine_map<(d0, d1) -> (0)>
module attributes {stable_mosaic.version = 14 : i64} {
  func.func @_fused(%arg0: i32, %arg1: i32, %arg2: memref<6193152xf32, #tpu.memory_space<hbm>>, %arg3: memref<1179648xf32, #tpu.memory_space<hbm>>, %arg4: memref<589824xf32, #tpu.memory_space<hbm>>, %arg5: memref<32xf32, #tpu.memory_space<hbm>>, %arg6: memref<64xf32, #tpu.memory_space<hbm>>, %arg7: memref<64xi32, #tpu.memory_space<hbm>>, %arg8: memref<64xf32, #tpu.memory_space<hbm>>, %arg9: memref<65536xf32, #tpu.memory_space<hbm>>, %arg10: memref<24192xf32, #tpu.memory_space<vmem>>, %arg11: memref<1728xf32, #tpu.memory_space<vmem>>, %arg12: memref<36864xf32, #tpu.memory_space<vmem>>, %arg13: memref<18432xf32, #tpu.memory_space<vmem>>, %arg14: memref<32xf32, #tpu.memory_space<vmem>>, %arg15: memref<64xf32, #tpu.memory_space<vmem>>, %arg16: memref<64xi32, #tpu.memory_space<vmem>>, %arg17: memref<64xf32, #tpu.memory_space<vmem>>, %arg18: memref<2048xf32, #tpu.memory_space<vmem>>, %arg19: memref<!tpu.dma_semaphore, #tpu.memory_space<semaphore_mem>>) attributes {dimension_semantics = [#tpu.dimension_semantics<core_parallel>, #tpu.dimension_semantics<subcore_parallel>], iteration_bounds = array<i64: 2, 16>, scalar_prefetch = 0 : i64, scratch_operands = 10 : i64, tpu.core_type = #tpu.core_type<sc_vector_subcore>, window_params = [{transform_indices = #map}, {transform_indices = #map}, {transform_indices = #map}, {transform_indices = #map}, {transform_indices = #map}, {transform_indices = #map}, {transform_indices = #map}, {transform_indices = #map}]} {
    %mul3A = arith.constant 2 : i32
    %mul3A_0 = arith.muli %arg1, %mul3A : i32
    %add3A = arith.addi %mul3A_0, %arg0 : i32
    %mul3A_1 = arith.constant 36864 : i32
    %mul3A_2 = arith.muli %add3A, %mul3A_1 : i32
    "tpu.region"() ({
      %run_scoped3A = tpu.sem_alloc : memref<!tpu.dma_semaphore, #tpu.memory_space<semaphore_mem>>
      %dma_start3A = tpu.memref_slice %arg3[%mul3A_2] : memref<1179648xf32, #tpu.memory_space<hbm>> -> memref<36864xf32, #tpu.memory_space<hbm>>
      %dma_start3A_32 = tpu.memref_slice %arg3[%mul3A_2] : memref<1179648xf32, #tpu.memory_space<hbm>> -> memref<36864xf32, #tpu.memory_space<hbm>>
      tpu.enqueue_dma source(%dma_start3A_32 : memref<36864xf32, #tpu.memory_space<hbm>>) target(%arg12 : memref<36864xf32, #tpu.memory_space<vmem>>) target_semaphore(%run_scoped3A : memref<!tpu.dma_semaphore, #tpu.memory_space<semaphore_mem>>)
      %dma_wait3A = tpu.memref_slice %arg3[%mul3A_2] : memref<1179648xf32, #tpu.memory_space<hbm>> -> memref<36864xf32, #tpu.memory_space<hbm>>
      %dma_wait3A_33 = tpu.memref_slice %arg3[%mul3A_2] : memref<1179648xf32, #tpu.memory_space<hbm>> -> memref<36864xf32, #tpu.memory_space<hbm>>
      tpu.wait_dma2 semaphore(%run_scoped3A : memref<!tpu.dma_semaphore, #tpu.memory_space<semaphore_mem>>) src(%dma_wait3A_33 : memref<36864xf32, #tpu.memory_space<hbm>>) dst(%arg12 : memref<36864xf32, #tpu.memory_space<vmem>>)
      tpu.yield
    }) : () -> ()
    %mul3A_3 = arith.constant 18432 : i32
    %mul3A_4 = arith.muli %add3A, %mul3A_3 : i32
    "tpu.region"() ({
      %run_scoped3A = tpu.sem_alloc : memref<!tpu.dma_semaphore, #tpu.memory_space<semaphore_mem>>
      %dma_start3A = tpu.memref_slice %arg4[%mul3A_4] : memref<589824xf32, #tpu.memory_space<hbm>> -> memref<18432xf32, #tpu.memory_space<hbm>>
      %dma_start3A_32 = tpu.memref_slice %arg4[%mul3A_4] : memref<589824xf32, #tpu.memory_space<hbm>> -> memref<18432xf32, #tpu.memory_space<hbm>>
      tpu.enqueue_dma source(%dma_start3A_32 : memref<18432xf32, #tpu.memory_space<hbm>>) target(%arg13 : memref<18432xf32, #tpu.memory_space<vmem>>) target_semaphore(%run_scoped3A : memref<!tpu.dma_semaphore, #tpu.memory_space<semaphore_mem>>)
      %dma_wait3A = tpu.memref_slice %arg4[%mul3A_4] : memref<589824xf32, #tpu.memory_space<hbm>> -> memref<18432xf32, #tpu.memory_space<hbm>>
      %dma_wait3A_33 = tpu.memref_slice %arg4[%mul3A_4] : memref<589824xf32, #tpu.memory_space<hbm>> -> memref<18432xf32, #tpu.memory_space<hbm>>
      tpu.wait_dma2 semaphore(%run_scoped3A : memref<!tpu.dma_semaphore, #tpu.memory_space<semaphore_mem>>) src(%dma_wait3A_33 : memref<18432xf32, #tpu.memory_space<hbm>>) dst(%arg13 : memref<18432xf32, #tpu.memory_space<vmem>>)
      tpu.yield
    }) : () -> ()
    "tpu.region"() ({
      %run_scoped3A = tpu.sem_alloc : memref<!tpu.dma_semaphore, #tpu.memory_space<semaphore_mem>>
      tpu.enqueue_dma source(%arg5 : memref<32xf32, #tpu.memory_space<hbm>>) target(%arg14 : memref<32xf32, #tpu.memory_space<vmem>>) target_semaphore(%run_scoped3A : memref<!tpu.dma_semaphore, #tpu.memory_space<semaphore_mem>>)
      tpu.wait_dma2 semaphore(%run_scoped3A : memref<!tpu.dma_semaphore, #tpu.memory_space<semaphore_mem>>) src(%arg5 : memref<32xf32, #tpu.memory_space<hbm>>) dst(%arg14 : memref<32xf32, #tpu.memory_space<vmem>>)
      tpu.yield
    }) : () -> ()
    "tpu.region"() ({
      %run_scoped3A = tpu.sem_alloc : memref<!tpu.dma_semaphore, #tpu.memory_space<semaphore_mem>>
      tpu.enqueue_dma source(%arg6 : memref<64xf32, #tpu.memory_space<hbm>>) target(%arg15 : memref<64xf32, #tpu.memory_space<vmem>>) target_semaphore(%run_scoped3A : memref<!tpu.dma_semaphore, #tpu.memory_space<semaphore_mem>>)
      tpu.wait_dma2 semaphore(%run_scoped3A : memref<!tpu.dma_semaphore, #tpu.memory_space<semaphore_mem>>) src(%arg6 : memref<64xf32, #tpu.memory_space<hbm>>) dst(%arg15 : memref<64xf32, #tpu.memory_space<vmem>>)
      tpu.yield
    }) : () -> ()
    "tpu.region"() ({
      %run_scoped3A = tpu.sem_alloc : memref<!tpu.dma_semaphore, #tpu.memory_space<semaphore_mem>>
      tpu.enqueue_dma source(%arg7 : memref<64xi32, #tpu.memory_space<hbm>>) target(%arg16 : memref<64xi32, #tpu.memory_space<vmem>>) target_semaphore(%run_scoped3A : memref<!tpu.dma_semaphore, #tpu.memory_space<semaphore_mem>>)
      tpu.wait_dma2 semaphore(%run_scoped3A : memref<!tpu.dma_semaphore, #tpu.memory_space<semaphore_mem>>) src(%arg7 : memref<64xi32, #tpu.memory_space<hbm>>) dst(%arg16 : memref<64xi32, #tpu.memory_space<vmem>>)
      tpu.yield
    }) : () -> ()
    "tpu.region"() ({
      %run_scoped3A = tpu.sem_alloc : memref<!tpu.dma_semaphore, #tpu.memory_space<semaphore_mem>>
      tpu.enqueue_dma source(%arg8 : memref<64xf32, #tpu.memory_space<hbm>>) target(%arg17 : memref<64xf32, #tpu.memory_space<vmem>>) target_semaphore(%run_scoped3A : memref<!tpu.dma_semaphore, #tpu.memory_space<semaphore_mem>>)
      tpu.wait_dma2 semaphore(%run_scoped3A : memref<!tpu.dma_semaphore, #tpu.memory_space<semaphore_mem>>) src(%arg8 : memref<64xf32, #tpu.memory_space<hbm>>) dst(%arg17 : memref<64xf32, #tpu.memory_space<vmem>>)
      tpu.yield
    }) : () -> ()
    %iota3A = tpu.iota {dimensions = array<i32: 0>} : vector<16xi32>
    %convert_element_type3A = arith.sitofp %iota3A : vector<16xi32> to vector<16xf32>
    %broadcast_in_dim3A = arith.constant 0.000000e+00 : f32
    %broadcast_in_dim3A_5 = vector.broadcast %broadcast_in_dim3A : f32 to vector<16xf32>
    %broadcast_in_dim3A_6 = arith.constant 1.000000e+00 : f32
    %broadcast_in_dim3A_7 = vector.broadcast %broadcast_in_dim3A_6 : f32 to vector<16xf32>
    %broadcast_in_dim3A_8 = arith.constant 0 : i32
    %broadcast_in_dim3A_9 = vector.broadcast %broadcast_in_dim3A_8 : i32 to vector<16xi32>
    %get3A = arith.constant 0 : index
    %get3A_10 = tpu.vector_load %arg16[%get3A] {strides = array<i32>} : memref<64xi32, #tpu.memory_space<vmem>>, vector<16xi32>,
    %get3A_11 = arith.constant 16 : index
    %get3A_12 = tpu.vector_load %arg16[%get3A_11] {strides = array<i32>} : memref<64xi32, #tpu.memory_space<vmem>>, vector<16xi32>,
    %get3A_13 = arith.constant 32 : index
    %get3A_14 = tpu.vector_load %arg16[%get3A_13] {strides = array<i32>} : memref<64xi32, #tpu.memory_space<vmem>>, vector<16xi32>,
    %get3A_15 = arith.constant 48 : index
    %get3A_16 = tpu.vector_load %arg16[%get3A_15] {strides = array<i32>} : memref<64xi32, #tpu.memory_space<vmem>>, vector<16xi32>,
    %get3A_17 = arith.constant 0 : index
    %get3A_18 = tpu.vector_load %arg17[%get3A_17] {strides = array<i32>} : memref<64xf32, #tpu.memory_space<vmem>>, vector<16xf32>,
    %get3A_19 = arith.constant 16 : index
    %get3A_20 = tpu.vector_load %arg17[%get3A_19] {strides = array<i32>} : memref<64xf32, #tpu.memory_space<vmem>>, vector<16xf32>,
    %get3A_21 = arith.constant 32 : index
    %get3A_22 = tpu.vector_load %arg17[%get3A_21] {strides = array<i32>} : memref<64xf32, #tpu.memory_space<vmem>>, vector<16xf32>,
    %get3A_23 = arith.constant 48 : index
    %get3A_24 = tpu.vector_load %arg17[%get3A_23] {strides = array<i32>} : memref<64xf32, #tpu.memory_space<vmem>>, vector<16xf32>,
    %scan3A = arith.constant 0 : i32
    %scan3A_25 = arith.constant 0 : i32
    %scan3A_26 = arith.constant 8 : i32
    %scan3A_27 = arith.addi %scan3A_25, %scan3A_26 : i32
    %scan3A_28 = arith.constant 1 : i32
    scf.for %scan3A_32 = %scan3A_25 to %scan3A_27 step %scan3A_28  : i32 {
      %mul3A_33 = arith.constant 8 : i32
      %mul3A_34 = arith.muli %add3A, %mul3A_33 : i32
      %add3A_35 = arith.addi %mul3A_34, %scan3A_32 : i32
      %mul3A_36 = arith.constant 24192 : i32
      %mul3A_37 = arith.muli %add3A_35, %mul3A_36 : i32
      "tpu.region"() ({
        %run_scoped3A = tpu.sem_alloc : memref<!tpu.dma_semaphore, #tpu.memory_space<semaphore_mem>>
        %dma_start3A = tpu.memref_slice %arg2[%mul3A_37] : memref<6193152xf32, #tpu.memory_space<hbm>> -> memref<24192xf32, #tpu.memory_space<hbm>>
        %dma_start3A_50 = tpu.memref_slice %arg2[%mul3A_37] : memref<6193152xf32, #tpu.memory_space<hbm>> -> memref<24192xf32, #tpu.memory_space<hbm>>
        tpu.enqueue_dma source(%dma_start3A_50 : memref<24192xf32, #tpu.memory_space<hbm>>) target(%arg10 : memref<24192xf32, #tpu.memory_space<vmem>>) target_semaphore(%run_scoped3A : memref<!tpu.dma_semaphore, #tpu.memory_space<semaphore_mem>>)
        %dma_wait3A = tpu.memref_slice %arg2[%mul3A_37] : memref<6193152xf32, #tpu.memory_space<hbm>> -> memref<24192xf32, #tpu.memory_space<hbm>>
        %dma_wait3A_51 = tpu.memref_slice %arg2[%mul3A_37] : memref<6193152xf32, #tpu.memory_space<hbm>> -> memref<24192xf32, #tpu.memory_space<hbm>>
        tpu.wait_dma2 semaphore(%run_scoped3A : memref<!tpu.dma_semaphore, #tpu.memory_space<semaphore_mem>>) src(%dma_wait3A_51 : memref<24192xf32, #tpu.memory_space<hbm>>) dst(%arg10 : memref<24192xf32, #tpu.memory_space<vmem>>)
        tpu.yield
      }) : () -> ()
      %scan3A_38 = arith.constant 0 : i32
      %scan3A_39 = arith.constant 0 : i32
      %scan3A_40 = arith.constant 54 : i32
      %scan3A_41 = arith.addi %scan3A_39, %scan3A_40 : i32
      %scan3A_42 = arith.constant 1 : i32
      scf.for %scan3A_50 = %scan3A_39 to %scan3A_41 step %scan3A_42  : i32 {
        %jit3A = arith.constant 18 : i32
        %div3A = arith.divsi %scan3A_50, %jit3A : i32
        %sign3A = arith.constant 0 : i32
        %sign3A_51 = arith.cmpi sgt, %scan3A_50, %sign3A : i32
        %sign3A_52 = arith.extui %sign3A_51 : i1 to i32
        %sign3A_53 = arith.constant 0 : i32
        %sign3A_54 = arith.cmpi slt, %scan3A_50, %sign3A_53 : i32
        %sign3A_55 = arith.extui %sign3A_54 : i1 to i32
        %sign3A_56 = arith.subi %sign3A_52, %sign3A_55 : i32
        %sign3A_57 = arith.constant 0 : i32
        %sign3A_58 = arith.cmpi sgt, %jit3A, %sign3A_57 : i32
        %sign3A_59 = arith.extui %sign3A_58 : i1 to i32
        %sign3A_60 = arith.constant 0 : i32
        %sign3A_61 = arith.cmpi slt, %jit3A, %sign3A_60 : i32
        %sign3A_62 = arith.extui %sign3A_61 : i1 to i32
        %sign3A_63 = arith.subi %sign3A_59, %sign3A_62 : i32
        %ne3A = arith.cmpi ne, %sign3A_56, %sign3A_63 : i32
        %rem3A = arith.remsi %scan3A_50, %jit3A : i32
        %ne3A_64 = arith.constant 0 : i32
        %ne3A_65 = arith.cmpi ne, %rem3A, %ne3A_64 : i32
        %and3A = arith.andi %ne3A, %ne3A_65 : i1
        %sub3A = arith.constant 1 : i32
        %sub3A_66 = arith.subi %div3A, %sub3A : i32
        %select_n3A = arith.select %and3A, %sub3A_66, %div3A : i32
        %jit3A_67 = arith.constant 18 : i32
        %eq3A = arith.constant 0 : i32
        %eq3A_68 = arith.cmpi eq, %jit3A_67, %eq3A : i32
        %jit3A_69 = arith.constant 1 : i32
        %select_n3A_70 = arith.select %eq3A_68, %jit3A_69, %jit3A_67 : i32
        %rem3A_71 = arith.remsi %scan3A_50, %select_n3A_70 : i32
        %ne3A_72 = arith.constant 0 : i32
        %ne3A_73 = arith.cmpi ne, %rem3A_71, %ne3A_72 : i32
        %lt3A = arith.constant 0 : i32
        %lt3A_74 = arith.cmpi slt, %rem3A_71, %lt3A : i32
        %lt3A_75 = arith.constant 0 : i32
        %lt3A_76 = arith.cmpi slt, %select_n3A_70, %lt3A_75 : i32
        %ne3A_77 = arith.xori %lt3A_74, %lt3A_76 : i1
        %and3A_78 = arith.andi %ne3A_77, %ne3A_73 : i1
        %add3A_79 = arith.addi %rem3A_71, %select_n3A_70 : i32
        %select_n3A_80 = arith.select %and3A_78, %add3A_79, %rem3A_71 : i32
        %add3A_81 = vector.broadcast %select_n3A_80 : i32 to vector<16xi32>
        %add3A_82 = arith.addi %broadcast_in_dim3A_9, %add3A_81 : vector<16xi32>
        %gather3A = tpu.vector_load_idx %arg15[%add3A_82] : memref<64xf32, #tpu.memory_space<vmem>>[vector<16xi32>], vector<16xf32>,
        %add3A_83 = arith.constant 32 : i32
        %add3A_84 = arith.addi %add3A_83, %select_n3A_80 : i32
        %add3A_85 = vector.broadcast %add3A_84 : i32 to vector<16xi32>
        %add3A_86 = arith.addi %broadcast_in_dim3A_9, %add3A_85 : vector<16xi32>
        %gather3A_87 = tpu.vector_load_idx %arg15[%add3A_86] : memref<64xf32, #tpu.memory_space<vmem>>[vector<16xi32>], vector<16xf32>,
        %mul3A_88 = arith.constant 448 : i32
        %mul3A_89 = arith.muli %scan3A_50, %mul3A_88 : i32
        %mul3A_90 = arith.constant 576 : i32
        %mul3A_91 = arith.muli %select_n3A, %mul3A_90 : i32
        %mul3A_92 = arith.constant 32 : i32
        %mul3A_93 = arith.muli %select_n3A_80, %mul3A_92 : i32
        %add3A_94 = arith.addi %mul3A_91, %mul3A_93 : i32
        %add3A_95 = vector.broadcast %mul3A_89 : i32 to vector<16xi32>
        %add3A_96 = arith.addi %get3A_10, %add3A_95 : vector<16xi32>
        %gather3A_97 = tpu.vector_load_idx %arg10[%add3A_96] : memref<24192xf32, #tpu.memory_space<vmem>>[vector<16xi32>], vector<16xf32>,
        %add3A_98 = vector.broadcast %mul3A_89 : i32 to vector<16xi32>
        %add3A_99 = arith.addi %get3A_14, %add3A_98 : vector<16xi32>
        %gather3A_100 = tpu.vector_load_idx %arg10[%add3A_99] : memref<24192xf32, #tpu.memory_space<vmem>>[vector<16xi32>], vector<16xf32>,
        %add3A_101 = arith.constant 224 : i32
        %add3A_102 = arith.addi %mul3A_89, %add3A_101 : i32
        %add3A_103 = vector.broadcast %add3A_102 : i32 to vector<16xi32>
        %add3A_104 = arith.addi %get3A_10, %add3A_103 : vector<16xi32>
        %gather3A_105 = tpu.vector_load_idx %arg10[%add3A_104] : memref<24192xf32, #tpu.memory_space<vmem>>[vector<16xi32>], vector<16xf32>,
        %add3A_106 = arith.constant 224 : i32
        %add3A_107 = arith.addi %mul3A_89, %add3A_106 : i32
        %add3A_108 = vector.broadcast %add3A_107 : i32 to vector<16xi32>
        %add3A_109 = arith.addi %get3A_14, %add3A_108 : vector<16xi32>
        %gather3A_110 = tpu.vector_load_idx %arg10[%add3A_109] : memref<24192xf32, #tpu.memory_space<vmem>>[vector<16xi32>], vector<16xf32>,
        %mul3A_111 = arith.mulf %get3A_18, %gather3A_97 : vector<16xf32>
        %mul3A_112 = arith.mulf %get3A_22, %gather3A_100 : vector<16xf32>
        %add3A_113 = arith.addf %mul3A_111, %mul3A_112 : vector<16xf32>
        %mul3A_114 = arith.mulf %gather3A, %add3A_113 : vector<16xf32>
        %mul3A_115 = arith.mulf %get3A_18, %gather3A_105 : vector<16xf32>
        %mul3A_116 = arith.mulf %get3A_22, %gather3A_110 : vector<16xf32>
        %add3A_117 = arith.addf %mul3A_115, %mul3A_116 : vector<16xf32>
        %mul3A_118 = arith.mulf %gather3A_87, %add3A_117 : vector<16xf32>
        %add3A_119 = arith.addf %mul3A_114, %mul3A_118 : vector<16xf32>
        %add3A_120 = arith.constant 0 : i32
        %add3A_121 = arith.addi %add3A_94, %add3A_120 : i32
        %swap3A = arith.index_cast %add3A_121 : i32 to index
        %swap3A_122 = tpu.vector_load %arg11[%swap3A] {strides = array<i32>} : memref<1728xf32, #tpu.memory_space<vmem>>, vector<16xf32>,
        tpu.vector_store %arg11[%swap3A], %add3A_119 {strides = array<i32>} : memref<1728xf32, #tpu.memory_space<vmem>>, vector<16xf32>,
        %add3A_123 = vector.broadcast %mul3A_89 : i32 to vector<16xi32>
        %add3A_124 = arith.addi %get3A_12, %add3A_123 : vector<16xi32>
        %gather3A_125 = tpu.vector_load_idx %arg10[%add3A_124] : memref<24192xf32, #tpu.memory_space<vmem>>[vector<16xi32>], vector<16xf32>,
        %add3A_126 = vector.broadcast %mul3A_89 : i32 to vector<16xi32>
        %add3A_127 = arith.addi %get3A_16, %add3A_126 : vector<16xi32>
        %gather3A_128 = tpu.vector_load_idx %arg10[%add3A_127] : memref<24192xf32, #tpu.memory_space<vmem>>[vector<16xi32>], vector<16xf32>,
        %add3A_129 = arith.constant 224 : i32
        %add3A_130 = arith.addi %mul3A_89, %add3A_129 : i32
        %add3A_131 = vector.broadcast %add3A_130 : i32 to vector<16xi32>
        %add3A_132 = arith.addi %get3A_12, %add3A_131 : vector<16xi32>
        %gather3A_133 = tpu.vector_load_idx %arg10[%add3A_132] : memref<24192xf32, #tpu.memory_space<vmem>>[vector<16xi32>], vector<16xf32>,
        %add3A_134 = arith.constant 224 : i32
        %add3A_135 = arith.addi %mul3A_89, %add3A_134 : i32
        %add3A_136 = vector.broadcast %add3A_135 : i32 to vector<16xi32>
        %add3A_137 = arith.addi %get3A_16, %add3A_136 : vector<16xi32>
        %gather3A_138 = tpu.vector_load_idx %arg10[%add3A_137] : memref<24192xf32, #tpu.memory_space<vmem>>[vector<16xi32>], vector<16xf32>,
        %mul3A_139 = arith.mulf %get3A_20, %gather3A_125 : vector<16xf32>
        %mul3A_140 = arith.mulf %get3A_24, %gather3A_128 : vector<16xf32>
        %add3A_141 = arith.addf %mul3A_139, %mul3A_140 : vector<16xf32>
        %mul3A_142 = arith.mulf %gather3A, %add3A_141 : vector<16xf32>
        %mul3A_143 = arith.mulf %get3A_20, %gather3A_133 : vector<16xf32>
        %mul3A_144 = arith.mulf %get3A_24, %gather3A_138 : vector<16xf32>
        %add3A_145 = arith.addf %mul3A_143, %mul3A_144 : vector<16xf32>
        %mul3A_146 = arith.mulf %gather3A_87, %add3A_145 : vector<16xf32>
        %add3A_147 = arith.addf %mul3A_142, %mul3A_146 : vector<16xf32>
        %add3A_148 = arith.constant 16 : i32
        %add3A_149 = arith.addi %add3A_94, %add3A_148 : i32
        %swap3A_150 = arith.index_cast %add3A_149 : i32 to index
        %swap3A_151 = tpu.vector_load %arg11[%swap3A_150] {strides = array<i32>} : memref<1728xf32, #tpu.memory_space<vmem>>, vector<16xf32>,
        tpu.vector_store %arg11[%swap3A_150], %add3A_147 {strides = array<i32>} : memref<1728xf32, #tpu.memory_space<vmem>>, vector<16xf32>,
      }
      %scan3A_43 = arith.constant 54 : i32
      %scan3A_44 = arith.constant 0 : i32
      %scan3A_45 = arith.constant 0 : i32
      %scan3A_46 = arith.constant 16 : i32
      %scan3A_47 = arith.addi %scan3A_45, %scan3A_46 : i32
      %scan3A_48 = arith.constant 1 : i32
      scf.for %scan3A_50 = %scan3A_45 to %scan3A_47 step %scan3A_48  : i32 {
        %scan3A_51 = arith.constant 0 : i32
        %scan3A_52 = arith.constant 9 : i32
        %scan3A_53 = arith.addi %scan3A_51, %scan3A_52 : i32
        %scan3A_54 = arith.constant 1 : i32
        %scan3A_55 = scf.for %scan3A_63 = %scan3A_51 to %scan3A_53 step %scan3A_54 iter_args(%scan3A_64 = %broadcast_in_dim3A_5) -> (vector<16xf32>)  : i32 {
          %jit3A = arith.constant 3 : i32
          %div3A = arith.divsi %scan3A_63, %jit3A : i32
          %sign3A = arith.constant 0 : i32
          %sign3A_65 = arith.cmpi sgt, %scan3A_63, %sign3A : i32
          %sign3A_66 = arith.extui %sign3A_65 : i1 to i32
          %sign3A_67 = arith.constant 0 : i32
          %sign3A_68 = arith.cmpi slt, %scan3A_63, %sign3A_67 : i32
          %sign3A_69 = arith.extui %sign3A_68 : i1 to i32
          %sign3A_70 = arith.subi %sign3A_66, %sign3A_69 : i32
          %sign3A_71 = arith.constant 0 : i32
          %sign3A_72 = arith.cmpi sgt, %jit3A, %sign3A_71 : i32
          %sign3A_73 = arith.extui %sign3A_72 : i1 to i32
          %sign3A_74 = arith.constant 0 : i32
          %sign3A_75 = arith.cmpi slt, %jit3A, %sign3A_74 : i32
          %sign3A_76 = arith.extui %sign3A_75 : i1 to i32
          %sign3A_77 = arith.subi %sign3A_73, %sign3A_76 : i32
          %ne3A = arith.cmpi ne, %sign3A_70, %sign3A_77 : i32
          %rem3A = arith.remsi %scan3A_63, %jit3A : i32
          %ne3A_78 = arith.constant 0 : i32
          %ne3A_79 = arith.cmpi ne, %rem3A, %ne3A_78 : i32
          %and3A = arith.andi %ne3A, %ne3A_79 : i1
          %sub3A = arith.constant 1 : i32
          %sub3A_80 = arith.subi %div3A, %sub3A : i32
          %select_n3A = arith.select %and3A, %sub3A_80, %div3A : i32
          %jit3A_81 = arith.constant 3 : i32
          %eq3A = arith.constant 0 : i32
          %eq3A_82 = arith.cmpi eq, %jit3A_81, %eq3A : i32
          %jit3A_83 = arith.constant 1 : i32
          %select_n3A_84 = arith.select %eq3A_82, %jit3A_83, %jit3A_81 : i32
          %rem3A_85 = arith.remsi %scan3A_63, %select_n3A_84 : i32
          %ne3A_86 = arith.constant 0 : i32
          %ne3A_87 = arith.cmpi ne, %rem3A_85, %ne3A_86 : i32
          %lt3A = arith.constant 0 : i32
          %lt3A_88 = arith.cmpi slt, %rem3A_85, %lt3A : i32
          %lt3A_89 = arith.constant 0 : i32
          %lt3A_90 = arith.cmpi slt, %select_n3A_84, %lt3A_89 : i32
          %ne3A_91 = arith.xori %lt3A_88, %lt3A_90 : i1
          %and3A_92 = arith.andi %ne3A_91, %ne3A_87 : i1
          %add3A_93 = arith.addi %rem3A_85, %select_n3A_84 : i32
          %select_n3A_94 = arith.select %and3A_92, %add3A_93, %rem3A_85 : i32
          %mul3A_95 = arith.constant 4608 : i32
          %mul3A_96 = arith.muli %scan3A_32, %mul3A_95 : i32
          %mul3A_97 = arith.constant 2 : i32
          %mul3A_98 = arith.muli %mul3A_97, %scan3A_63 : i32
          %mul3A_99 = arith.constant 256 : i32
          %mul3A_100 = arith.muli %mul3A_98, %mul3A_99 : i32
          %add3A_101 = arith.addi %mul3A_96, %mul3A_100 : i32
          %mul3A_102 = arith.constant 16 : i32
          %mul3A_103 = arith.muli %scan3A_50, %mul3A_102 : i32
          %add3A_104 = arith.addi %add3A_101, %mul3A_103 : i32
          %get3A_105 = arith.index_cast %add3A_104 : i32 to index
          %get3A_106 = tpu.vector_load %arg12[%get3A_105] {strides = array<i32>} : memref<36864xf32, #tpu.memory_space<vmem>>, vector<16xf32>,
          %add3A_107 = arith.constant 256 : i32
          %add3A_108 = arith.addi %add3A_104, %add3A_107 : i32
          %get3A_109 = arith.index_cast %add3A_108 : i32 to index
          %get3A_110 = tpu.vector_load %arg12[%get3A_109] {strides = array<i32>} : memref<36864xf32, #tpu.memory_space<vmem>>, vector<16xf32>,
          %mul3A_111 = arith.constant 2304 : i32
          %mul3A_112 = arith.muli %scan3A_32, %mul3A_111 : i32
          %mul3A_113 = arith.constant 256 : i32
          %mul3A_114 = arith.muli %scan3A_63, %mul3A_113 : i32
          %add3A_115 = arith.addi %mul3A_112, %mul3A_114 : i32
          %mul3A_116 = arith.constant 16 : i32
          %mul3A_117 = arith.muli %scan3A_50, %mul3A_116 : i32
          %add3A_118 = arith.addi %add3A_115, %mul3A_117 : i32
          %get3A_119 = arith.index_cast %add3A_118 : i32 to index
          %get3A_120 = tpu.vector_load %arg13[%get3A_119] {strides = array<i32>} : memref<18432xf32, #tpu.memory_space<vmem>>, vector<16xf32>,
          %add3A_121 = arith.addi %scan3A_50, %select_n3A : i32
          %convert_element_type3A_122 = arith.sitofp %add3A_121 : i32 to f32
          %add3A_123 = vector.broadcast %convert_element_type3A_122 : f32 to vector<16xf32>
          %add3A_124 = arith.addf %get3A_106, %add3A_123 : vector<16xf32>
          %convert_element_type3A_125 = arith.sitofp %select_n3A_94 : i32 to f32
          %add3A_126 = vector.broadcast %convert_element_type3A_125 : f32 to vector<16xf32>
          %add3A_127 = arith.addf %get3A_110, %add3A_126 : vector<16xf32>
          %add3A_128 = arith.addf %add3A_127, %convert_element_type3A : vector<16xf32>
          %convert_element_type3A_129 = arith.fptosi %add3A_124 : vector<16xf32> to vector<16xi32>
          %convert_element_type3A_130 = arith.sitofp %convert_element_type3A_129 : vector<16xi32> to vector<16xf32>
          %gt3A = arith.cmpf ogt, %convert_element_type3A_130, %add3A_124 : vector<16xf32>
          %jit3A_131 = arith.constant 1 : i32
          %jit3A_132 = arith.constant 0 : i32
          %broadcast_in_dim3A_133 = vector.broadcast %jit3A_131 : i32 to vector<16xi32>
          %broadcast_in_dim3A_134 = vector.broadcast %jit3A_132 : i32 to vector<16xi32>
          %select_n3A_135 = arith.select %gt3A, %broadcast_in_dim3A_133, %broadcast_in_dim3A_134 : vector<16xi1>, vector<16xi32>
          %sub3A_136 = arith.subi %convert_element_type3A_129, %select_n3A_135 : vector<16xi32>
          %convert_element_type3A_137 = arith.sitofp %sub3A_136 : vector<16xi32> to vector<16xf32>
          %sub3A_138 = arith.subf %add3A_124, %convert_element_type3A_137 : vector<16xf32>
          %convert_element_type3A_139 = arith.fptosi %add3A_128 : vector<16xf32> to vector<16xi32>
          %convert_element_type3A_140 = arith.sitofp %convert_element_type3A_139 : vector<16xi32> to vector<16xf32>
          %gt3A_141 = arith.cmpf ogt, %convert_element_type3A_140, %add3A_128 : vector<16xf32>
          %jit3A_142 = arith.constant 1 : i32
          %jit3A_143 = arith.constant 0 : i32
          %broadcast_in_dim3A_144 = vector.broadcast %jit3A_142 : i32 to vector<16xi32>
          %broadcast_in_dim3A_145 = vector.broadcast %jit3A_143 : i32 to vector<16xi32>
          %select_n3A_146 = arith.select %gt3A_141, %broadcast_in_dim3A_144, %broadcast_in_dim3A_145 : vector<16xi1>, vector<16xi32>
          %sub3A_147 = arith.subi %convert_element_type3A_139, %select_n3A_146 : vector<16xi32>
          %convert_element_type3A_148 = arith.sitofp %sub3A_147 : vector<16xi32> to vector<16xf32>
          %sub3A_149 = arith.subf %add3A_128, %convert_element_type3A_148 : vector<16xf32>
          %add3A_150 = arith.constant 1 : i32
          %add3A_151 = vector.broadcast %add3A_150 : i32 to vector<16xi32>
          %add3A_152 = arith.addi %sub3A_136, %add3A_151 : vector<16xi32>
          %add3A_153 = arith.constant 1 : i32
          %add3A_154 = vector.broadcast %add3A_153 : i32 to vector<16xi32>
          %add3A_155 = arith.addi %sub3A_147, %add3A_154 : vector<16xi32>
          %ge3A = arith.constant 0 : i32
          %ge3A_156 = vector.broadcast %ge3A : i32 to vector<16xi32>
          %ge3A_157 = arith.cmpi sge, %sub3A_136, %ge3A_156 : vector<16xi32>
          %lt3A_158 = arith.constant 18 : i32
          %lt3A_159 = vector.broadcast %lt3A_158 : i32 to vector<16xi32>
          %lt3A_160 = arith.cmpi slt, %sub3A_136, %lt3A_159 : vector<16xi32>
          %and3A_161 = arith.andi %ge3A_157, %lt3A_160 : vector<16xi1>
          %select_n3A_162 = arith.select %and3A_161, %broadcast_in_dim3A_7, %broadcast_in_dim3A_5 : vector<16xi1>, vector<16xf32>
          %ge3A_163 = arith.constant 0 : i32
          %ge3A_164 = vector.broadcast %ge3A_163 : i32 to vector<16xi32>
          %ge3A_165 = arith.cmpi sge, %add3A_152, %ge3A_164 : vector<16xi32>
          %lt3A_166 = arith.constant 18 : i32
          %lt3A_167 = vector.broadcast %lt3A_166 : i32 to vector<16xi32>
          %lt3A_168 = arith.cmpi slt, %add3A_152, %lt3A_167 : vector<16xi32>
          %and3A_169 = arith.andi %ge3A_165, %lt3A_168 : vector<16xi1>
          %select_n3A_170 = arith.select %and3A_169, %broadcast_in_dim3A_7, %broadcast_in_dim3A_5 : vector<16xi1>, vector<16xf32>
          %ge3A_171 = arith.constant 0 : i32
          %ge3A_172 = vector.broadcast %ge3A_171 : i32 to vector<16xi32>
          %ge3A_173 = arith.cmpi sge, %sub3A_147, %ge3A_172 : vector<16xi32>
          %lt3A_174 = arith.constant 18 : i32
          %lt3A_175 = vector.broadcast %lt3A_174 : i32 to vector<16xi32>
          %lt3A_176 = arith.cmpi slt, %sub3A_147, %lt3A_175 : vector<16xi32>
          %and3A_177 = arith.andi %ge3A_173, %lt3A_176 : vector<16xi1>
          %select_n3A_178 = arith.select %and3A_177, %broadcast_in_dim3A_7, %broadcast_in_dim3A_5 : vector<16xi1>, vector<16xf32>
          %ge3A_179 = arith.constant 0 : i32
          %ge3A_180 = vector.broadcast %ge3A_179 : i32 to vector<16xi32>
          %ge3A_181 = arith.cmpi sge, %add3A_155, %ge3A_180 : vector<16xi32>
          %lt3A_182 = arith.constant 18 : i32
          %lt3A_183 = vector.broadcast %lt3A_182 : i32 to vector<16xi32>
          %lt3A_184 = arith.cmpi slt, %add3A_155, %lt3A_183 : vector<16xi32>
          %and3A_185 = arith.andi %ge3A_181, %lt3A_184 : vector<16xi1>
          %select_n3A_186 = arith.select %and3A_185, %broadcast_in_dim3A_7, %broadcast_in_dim3A_5 : vector<16xi1>, vector<16xf32>
          %jit3A_187 = arith.constant 0 : i32
          %jit3A_188 = arith.constant 17 : i32
          %max3A = vector.broadcast %jit3A_187 : i32 to vector<16xi32>
          %max3A_189 = arith.maxsi %max3A, %sub3A_136 : vector<16xi32>
          %min3A = vector.broadcast %jit3A_188 : i32 to vector<16xi32>
          %min3A_190 = arith.minsi %min3A, %max3A_189 : vector<16xi32>
          %jit3A_191 = arith.constant 0 : i32
          %jit3A_192 = arith.constant 17 : i32
          %max3A_193 = vector.broadcast %jit3A_191 : i32 to vector<16xi32>
          %max3A_194 = arith.maxsi %max3A_193, %add3A_152 : vector<16xi32>
          %min3A_195 = vector.broadcast %jit3A_192 : i32 to vector<16xi32>
          %min3A_196 = arith.minsi %min3A_195, %max3A_194 : vector<16xi32>
          %jit3A_197 = arith.constant 0 : i32
          %jit3A_198 = arith.constant 17 : i32
          %max3A_199 = vector.broadcast %jit3A_197 : i32 to vector<16xi32>
          %max3A_200 = arith.maxsi %max3A_199, %sub3A_147 : vector<16xi32>
          %min3A_201 = vector.broadcast %jit3A_198 : i32 to vector<16xi32>
          %min3A_202 = arith.minsi %min3A_201, %max3A_200 : vector<16xi32>
          %jit3A_203 = arith.constant 0 : i32
          %jit3A_204 = arith.constant 17 : i32
          %max3A_205 = vector.broadcast %jit3A_203 : i32 to vector<16xi32>
          %max3A_206 = arith.maxsi %max3A_205, %add3A_155 : vector<16xi32>
          %min3A_207 = vector.broadcast %jit3A_204 : i32 to vector<16xi32>
          %min3A_208 = arith.minsi %min3A_207, %max3A_206 : vector<16xi32>
          %sub3A_209 = arith.constant 1.000000e+00 : f32
          %sub3A_210 = vector.broadcast %sub3A_209 : f32 to vector<16xf32>
          %sub3A_211 = arith.subf %sub3A_210, %sub3A_138 : vector<16xf32>
          %mul3A_212 = arith.mulf %select_n3A_162, %sub3A_211 : vector<16xf32>
          %mul3A_213 = arith.mulf %select_n3A_170, %sub3A_138 : vector<16xf32>
          %sub3A_214 = arith.constant 1.000000e+00 : f32
          %sub3A_215 = vector.broadcast %sub3A_214 : f32 to vector<16xf32>
          %sub3A_216 = arith.subf %sub3A_215, %sub3A_149 : vector<16xf32>
          %mul3A_217 = arith.mulf %select_n3A_178, %sub3A_216 : vector<16xf32>
          %mul3A_218 = arith.mulf %select_n3A_186, %sub3A_149 : vector<16xf32>
          %mul3A_219 = arith.mulf %mul3A_212, %mul3A_217 : vector<16xf32>
          %mul3A_220 = arith.mulf %mul3A_212, %mul3A_218 : vector<16xf32>
          %mul3A_221 = arith.mulf %mul3A_213, %mul3A_217 : vector<16xf32>
          %mul3A_222 = arith.mulf %mul3A_213, %mul3A_218 : vector<16xf32>
          %mul3A_223 = arith.constant 32 : i32
          %mul3A_224 = vector.broadcast %mul3A_223 : i32 to vector<16xi32>
          %mul3A_225 = arith.muli %min3A_190, %mul3A_224 : vector<16xi32>
          %mul3A_226 = arith.constant 32 : i32
          %mul3A_227 = vector.broadcast %mul3A_226 : i32 to vector<16xi32>
          %mul3A_228 = arith.muli %min3A_196, %mul3A_227 : vector<16xi32>
          %add3A_229 = arith.addi %mul3A_225, %min3A_202 : vector<16xi32>
          %add3A_230 = arith.addi %mul3A_225, %min3A_208 : vector<16xi32>
          %add3A_231 = arith.addi %mul3A_228, %min3A_202 : vector<16xi32>
          %add3A_232 = arith.addi %mul3A_228, %min3A_208 : vector<16xi32>
          %add3A_233 = arith.constant 0 : i32
          %add3A_234 = vector.broadcast %add3A_233 : i32 to vector<16xi32>
          %add3A_235 = arith.addi %add3A_229, %add3A_234 : vector<16xi32>
          %gather3A = tpu.vector_load_idx %arg11[%add3A_235] : memref<1728xf32, #tpu.memory_space<vmem>>[vector<16xi32>], vector<16xf32>,
          %add3A_236 = arith.constant 0 : i32
          %add3A_237 = vector.broadcast %add3A_236 : i32 to vector<16xi32>
          %add3A_238 = arith.addi %add3A_230, %add3A_237 : vector<16xi32>
          %gather3A_239 = tpu.vector_load_idx %arg11[%add3A_238] : memref<1728xf32, #tpu.memory_space<vmem>>[vector<16xi32>], vector<16xf32>,
          %add3A_240 = arith.constant 0 : i32
          %add3A_241 = vector.broadcast %add3A_240 : i32 to vector<16xi32>
          %add3A_242 = arith.addi %add3A_231, %add3A_241 : vector<16xi32>
          %gather3A_243 = tpu.vector_load_idx %arg11[%add3A_242] : memref<1728xf32, #tpu.memory_space<vmem>>[vector<16xi32>], vector<16xf32>,
          %add3A_244 = arith.constant 0 : i32
          %add3A_245 = vector.broadcast %add3A_244 : i32 to vector<16xi32>
          %add3A_246 = arith.addi %add3A_232, %add3A_245 : vector<16xi32>
          %gather3A_247 = tpu.vector_load_idx %arg11[%add3A_246] : memref<1728xf32, #tpu.memory_space<vmem>>[vector<16xi32>], vector<16xf32>,
          %mul3A_248 = arith.mulf %mul3A_219, %gather3A : vector<16xf32>
          %mul3A_249 = arith.mulf %mul3A_220, %gather3A_239 : vector<16xf32>
          %add3A_250 = arith.addf %mul3A_248, %mul3A_249 : vector<16xf32>
          %mul3A_251 = arith.mulf %mul3A_221, %gather3A_243 : vector<16xf32>
          %add3A_252 = arith.addf %add3A_250, %mul3A_251 : vector<16xf32>
          %mul3A_253 = arith.mulf %mul3A_222, %gather3A_247 : vector<16xf32>
          %add3A_254 = arith.addf %add3A_252, %mul3A_253 : vector<16xf32>
          %add3A_255 = arith.constant 0 : i32
          %add3A_256 = arith.addi %add3A_255, %scan3A_63 : i32
          %broadcast_in_dim3A_257 = vector.broadcast %add3A_256 : i32 to vector<16xi32>
          %gather3A_258 = tpu.vector_load_idx %arg14[%broadcast_in_dim3A_257] : memref<32xf32, #tpu.memory_space<vmem>>[vector<16xi32>], vector<16xf32>,
          %mul3A_259 = arith.mulf %gather3A_258, %add3A_254 : vector<16xf32>
          %add3A_260 = arith.addf %broadcast_in_dim3A_5, %mul3A_259 : vector<16xf32>
          %add3A_261 = arith.constant 576 : i32
          %add3A_262 = vector.broadcast %add3A_261 : i32 to vector<16xi32>
          %add3A_263 = arith.addi %add3A_229, %add3A_262 : vector<16xi32>
          %gather3A_264 = tpu.vector_load_idx %arg11[%add3A_263] : memref<1728xf32, #tpu.memory_space<vmem>>[vector<16xi32>], vector<16xf32>,
          %add3A_265 = arith.constant 576 : i32
          %add3A_266 = vector.broadcast %add3A_265 : i32 to vector<16xi32>
          %add3A_267 = arith.addi %add3A_230, %add3A_266 : vector<16xi32>
          %gather3A_268 = tpu.vector_load_idx %arg11[%add3A_267] : memref<1728xf32, #tpu.memory_space<vmem>>[vector<16xi32>], vector<16xf32>,
          %add3A_269 = arith.constant 576 : i32
          %add3A_270 = vector.broadcast %add3A_269 : i32 to vector<16xi32>
          %add3A_271 = arith.addi %add3A_231, %add3A_270 : vector<16xi32>
          %gather3A_272 = tpu.vector_load_idx %arg11[%add3A_271] : memref<1728xf32, #tpu.memory_space<vmem>>[vector<16xi32>], vector<16xf32>,
          %add3A_273 = arith.constant 576 : i32
          %add3A_274 = vector.broadcast %add3A_273 : i32 to vector<16xi32>
          %add3A_275 = arith.addi %add3A_232, %add3A_274 : vector<16xi32>
          %gather3A_276 = tpu.vector_load_idx %arg11[%add3A_275] : memref<1728xf32, #tpu.memory_space<vmem>>[vector<16xi32>], vector<16xf32>,
          %mul3A_277 = arith.mulf %mul3A_219, %gather3A_264 : vector<16xf32>
          %mul3A_278 = arith.mulf %mul3A_220, %gather3A_268 : vector<16xf32>
          %add3A_279 = arith.addf %mul3A_277, %mul3A_278 : vector<16xf32>
          %mul3A_280 = arith.mulf %mul3A_221, %gather3A_272 : vector<16xf32>
          %add3A_281 = arith.addf %add3A_279, %mul3A_280 : vector<16xf32>
          %mul3A_282 = arith.mulf %mul3A_222, %gather3A_276 : vector<16xf32>
          %add3A_283 = arith.addf %add3A_281, %mul3A_282 : vector<16xf32>
          %add3A_284 = arith.constant 9 : i32
          %add3A_285 = arith.addi %add3A_284, %scan3A_63 : i32
          %broadcast_in_dim3A_286 = vector.broadcast %add3A_285 : i32 to vector<16xi32>
          %gather3A_287 = tpu.vector_load_idx %arg14[%broadcast_in_dim3A_286] : memref<32xf32, #tpu.memory_space<vmem>>[vector<16xi32>], vector<16xf32>,
          %mul3A_288 = arith.mulf %gather3A_287, %add3A_283 : vector<16xf32>
          %add3A_289 = arith.addf %add3A_260, %mul3A_288 : vector<16xf32>
          %add3A_290 = arith.constant 1152 : i32
          %add3A_291 = vector.broadcast %add3A_290 : i32 to vector<16xi32>
          %add3A_292 = arith.addi %add3A_229, %add3A_291 : vector<16xi32>
          %gather3A_293 = tpu.vector_load_idx %arg11[%add3A_292] : memref<1728xf32, #tpu.memory_space<vmem>>[vector<16xi32>], vector<16xf32>,
          %add3A_294 = arith.constant 1152 : i32
          %add3A_295 = vector.broadcast %add3A_294 : i32 to vector<16xi32>
          %add3A_296 = arith.addi %add3A_230, %add3A_295 : vector<16xi32>
          %gather3A_297 = tpu.vector_load_idx %arg11[%add3A_296] : memref<1728xf32, #tpu.memory_space<vmem>>[vector<16xi32>], vector<16xf32>,
          %add3A_298 = arith.constant 1152 : i32
          %add3A_299 = vector.broadcast %add3A_298 : i32 to vector<16xi32>
          %add3A_300 = arith.addi %add3A_231, %add3A_299 : vector<16xi32>
          %gather3A_301 = tpu.vector_load_idx %arg11[%add3A_300] : memref<1728xf32, #tpu.memory_space<vmem>>[vector<16xi32>], vector<16xf32>,
          %add3A_302 = arith.constant 1152 : i32
          %add3A_303 = vector.broadcast %add3A_302 : i32 to vector<16xi32>
          %add3A_304 = arith.addi %add3A_232, %add3A_303 : vector<16xi32>
          %gather3A_305 = tpu.vector_load_idx %arg11[%add3A_304] : memref<1728xf32, #tpu.memory_space<vmem>>[vector<16xi32>], vector<16xf32>,
          %mul3A_306 = arith.mulf %mul3A_219, %gather3A_293 : vector<16xf32>
          %mul3A_307 = arith.mulf %mul3A_220, %gather3A_297 : vector<16xf32>
          %add3A_308 = arith.addf %mul3A_306, %mul3A_307 : vector<16xf32>
          %mul3A_309 = arith.mulf %mul3A_221, %gather3A_301 : vector<16xf32>
          %add3A_310 = arith.addf %add3A_308, %mul3A_309 : vector<16xf32>
          %mul3A_311 = arith.mulf %mul3A_222, %gather3A_305 : vector<16xf32>
          %add3A_312 = arith.addf %add3A_310, %mul3A_311 : vector<16xf32>
          %add3A_313 = arith.constant 18 : i32
          %add3A_314 = arith.addi %add3A_313, %scan3A_63 : i32
          %broadcast_in_dim3A_315 = vector.broadcast %add3A_314 : i32 to vector<16xi32>
          %gather3A_316 = tpu.vector_load_idx %arg14[%broadcast_in_dim3A_315] : memref<32xf32, #tpu.memory_space<vmem>>[vector<16xi32>], vector<16xf32>,
          %mul3A_317 = arith.mulf %gather3A_316, %add3A_312 : vector<16xf32>
          %add3A_318 = arith.addf %add3A_289, %mul3A_317 : vector<16xf32>
          %mul3A_319 = arith.mulf %get3A_120, %add3A_318 : vector<16xf32>
          %add3A_320 = arith.addf %scan3A_64, %mul3A_319 : vector<16xf32>
          scf.yield %add3A_320 : vector<16xf32>
        }
        %scan3A_56 = arith.constant 9 : i32
        %mul3A_57 = arith.constant 256 : i32
        %mul3A_58 = arith.muli %scan3A_32, %mul3A_57 : i32
        %mul3A_59 = arith.constant 16 : i32
        %mul3A_60 = arith.muli %scan3A_50, %mul3A_59 : i32
        %add3A_61 = arith.addi %mul3A_58, %mul3A_60 : i32
        %swap3A = arith.index_cast %add3A_61 : i32 to index
        %swap3A_62 = tpu.vector_load %arg18[%swap3A] {strides = array<i32>} : memref<2048xf32, #tpu.memory_space<vmem>>, vector<16xf32>,
        tpu.vector_store %arg18[%swap3A], %scan3A_55 {strides = array<i32>} : memref<2048xf32, #tpu.memory_space<vmem>>, vector<16xf32>,
      }
      %scan3A_49 = arith.constant 16 : i32
    }
    %scan3A_29 = arith.constant 8 : i32
    %mul3A_30 = arith.constant 2048 : i32
    %mul3A_31 = arith.muli %add3A, %mul3A_30 : i32
    "tpu.region"() ({
      %run_scoped3A = tpu.sem_alloc : memref<!tpu.dma_semaphore, #tpu.memory_space<semaphore_mem>>
      %dma_start3A = tpu.memref_slice %arg9[%mul3A_31] : memref<65536xf32, #tpu.memory_space<hbm>> -> memref<2048xf32, #tpu.memory_space<hbm>>
      %dma_start3A_32 = tpu.memref_slice %arg9[%mul3A_31] : memref<65536xf32, #tpu.memory_space<hbm>> -> memref<2048xf32, #tpu.memory_space<hbm>>
      tpu.enqueue_dma source(%arg18 : memref<2048xf32, #tpu.memory_space<vmem>>) target(%dma_start3A_32 : memref<2048xf32, #tpu.memory_space<hbm>>) target_semaphore(%run_scoped3A : memref<!tpu.dma_semaphore, #tpu.memory_space<semaphore_mem>>)
      %dma_wait3A = tpu.memref_slice %arg9[%mul3A_31] : memref<65536xf32, #tpu.memory_space<hbm>> -> memref<2048xf32, #tpu.memory_space<hbm>>
      %dma_wait3A_33 = tpu.memref_slice %arg9[%mul3A_31] : memref<65536xf32, #tpu.memory_space<hbm>> -> memref<2048xf32, #tpu.memory_space<hbm>>
      tpu.wait_dma2 semaphore(%run_scoped3A : memref<!tpu.dma_semaphore, #tpu.memory_space<semaphore_mem>>) src(%arg18 : memref<2048xf32, #tpu.memory_space<vmem>>) dst(%dma_wait3A_33 : memref<2048xf32, #tpu.memory_space<hbm>>)
      tpu.yield
    }) : () -> ()
    return
  }
}

</mosaic_0001>

<sc_bundles>
// kernel: kernel.3.cloned.1.call-start
scs
__scs_entry_jumppad:
0x0: {  	(pc) =	sbr.rel $0x88, $3  }
0x1: {  	(tag) =	ssettag $0x0;
	lr =	simm.s32 $0x1  }
0x2: {  	[smem:$0x3F9D] =	sst lr;
	_ =	strace $0xD0000000  }
0x3: {  	_ = 	snop  }
0x4: {  	_ = 	snop  }
0x5: {  	_ = 	snop  }
0x6: {  	_ = 	snop  }
0x7: {  	_ = 	snop  }
__scs_overlays_trampoline_lowered:
0x8: {  	[smem:$0x3FAC] =	sst s0  }
0x9: {  	[smem:$0x3FAD] =	sst s1  }
0xa: {  	[smem:$0x3FAE] =	sst s2  }
0xb: {  	[smem:$0x3FAF] =	sst s3  }
0xc: {  	[smem:$0x3FB0] =	sst s4  }
0xd: {  	[smem:$0x3FB1] =	sst s5  }
0xe: {  	[smem:$0x3FB2] =	sst s6  }
0xf: {  	[smem:$0x3FB3] =	sst s7  }
0x10: {  	[smem:$0x3FB4] =	sst s8  }
0x11: {  	[smem:$0x3FB5] =	sst s9;
	s0 =	simm.s32 @!p0 $0x0  }
0x12: {  	s1 =	sld [smem:$0x3F9B];
	s0 =	simm.s32 @p0 $0x1  }
0x13: {  	[smem:$0x3FB6] =	sst s0;
	s0 =	simm.s32 @!p1 $0x0  }
0x14: {  	s2 =	sld [smem:$0x3F9A];
	s0 =	simm.s32 @p1 $0x1  }
0x15: {  	[smem:$0x3FB7] =	sst s0;
	s0 =	simm.s32 @!p2 $0x0  }
0x16: {  	s3 =	sld [smem:$0x3FDB];
	s0 =	simm.s32 @p2 $0x1  }
0x17: {  	s4 =	simm.s32 $0x1BF5;
	[smem:$0x3FB9] =	sst s0  }
0x18: {  	s0 =	sld [smem:$0x3F9C];
	_ =	swait.ge [sflag:s4], $0x0  }
0x19: {  	s7 =	sld [smem:$0x3F9D]  }
0x1a: {  	s8 =	sadd.s32 $0xFFFFE003, lr  }
0x1b: {  	s9 =	sadd.s32 $0xFFFFFEF7, lr;
	s5 =	simm.s32 $0xFFFFFFFF;
	p2 =	slt.u32 s8, $0xFFFFF086  }
0x1c: {  	p1 =	slt.u32 s9, $0xF7A;
	s5 =	simm.s32 @!p2 $0x0  }
0x1d: {  	s5 =	simm.s32 @p1 $0x1;
	p0 =	seq.s32 s7, s2  }
0x1e: {  	s7 =	smul.u32 @!p0 $0xF7A, s2;
	p2 =	seq.s32 @!p0 s5, $0x0  }
0x1f: {  	s9 =	smul.u32 $0xF7A, s1;
	s8 =	simm.s32 @!p0 $0x1BF5;
	p2 =	por !p2, p0  }
0x20: {  	[sflag:s8] =	ssyncset.s32 @!p0 $0xFFFFF086;
	s6 =	sadd.s32 @!p0 s3, s7;
	s7 =	simm.s32 @!p0 $0x108  }
0x21: {  	s3 =	sadd.s32 s3, s9;
	s6 =	sadd.s32 @!p0 $0x88, s6;
	s7 =	simm.s32 @p2 $0x1082  }
0x22: {  	[simem:s7], [sflag:s8] =	dma.local @!p0 [hbm:s6], $0xF7A  }
0x23: {  	s9 =	sor.u32 $0xD0000000, s2;
	s6 =	simm.s32 $0x108;
	_ =	swait.ge @!p0 [sflag:s8], $0x0  }
0x24: {  	s3 =	sadd.s32 $0x88, s3;
	s6 =	simm.s32 @!p1 $0x1082;
	[sflag:s4] =	ssyncset.s32 $0xFFFFF086  }
0x25: {  	[simem:s6], [sflag:s4] =	dma.local [hbm:s3], $0xF7A  }
0x26: {  	[smem:$0x3F9D] =	sst s1;
	(tag) =	ssettag s2;
	_ =	strace s9  }
0x27: {  	s1 =	sld [smem:$0x3FAD]  }
0x28: {  	s2 =	sld [smem:$0x3FAE]  }
0x29: {  	s4 =	sld [smem:$0x3FB0]  }
0x2a: {  	p0 =	seq.s32 s5, $0x0;
	s5 =	sld [smem:$0x3FB1]  }
0x2b: {  	s6 =	sld [smem:$0x3FB2]  }
0x2c: {  	s7 =	sld [smem:$0x3FB3]  }
0x2d: {  	s3 =	simm.s32 $0x108;
	s8 =	sld [smem:$0x3FB4]  }
0x2e: {  	s3 =	simm.s32 @!p0 $0x1082;
	s9 =	sld [smem:$0x3FB5]  }
0x2f: {  	lr =	sadd.s32 s0, s3;
	s0 =	sld [smem:$0x3FAC]  }
0x30: {  	s3 =	sld [smem:$0x3FAF]  }
0x31: {  	[smem:$0x3FB8] =	sst s10  }
0x32: {  	s10 =	sld [smem:$0x3FB6];
	_ =	sdelay $0x3  }
0x33: {  	p0 =	seq.s32 s10, $0x1;
	s10 =	sld [smem:$0x3FB8];
	_ =	sdelay $0x3  }
0x34: {  	[smem:$0x3FB8] =	sst s10  }
0x35: {  	s10 =	sld [smem:$0x3FB7];
	_ =	sdelay $0x3  }
0x36: {  	p1 =	seq.s32 s10, $0x1;
	s10 =	sld [smem:$0x3FB8];
	_ =	sdelay $0x3  }
0x37: {  	[smem:$0x3FB8] =	sst s10  }
0x38: {  	s10 =	sld [smem:$0x3FB9]  }
0x39: {  	_ = 	snop;
	(pc) =	sbr.ind lr, $3  }
0x3a: {  	_ = 	snop  }
0x3b: {  	_ = 	snop  }
0x3c: {  	p2 =	seq.s32 s10, $0x1;
	s10 =	sld [smem:$0x3FB8]  }
0x3d: {  	_ =	shalt  }
0x3e: {  	_ =	shalt  }
0x3f: {  	_ =	shalt  }
0x40: {  	_ =	shalt  }
0x41: {  	_ =	shalt  }
0x42: {  	_ =	shalt  }
0x43: {  	_ =	shalt  }
0x44: {  	_ =	shalt  }
0x45: {  	_ =	shalt  }
0x46: {  	_ =	shalt  }
0x47: {  	_ =	shalt  }
0x48: {  	_ =	shalt  }
0x49: {  	_ =	shalt  }
0x4a: {  	_ =	shalt  }
0x4b: {  	_ =	shalt  }
0x4c: {  	_ =	shalt  }
0x4d: {  	_ =	shalt  }
0x4e: {  	_ =	shalt  }
0x4f: {  	_ =	shalt  }
0x50: {  	_ =	shalt  }
0x51: {  	_ =	shalt  }
0x52: {  	_ =	shalt  }
0x53: {  	_ =	shalt  }
0x54: {  	_ =	shalt  }
0x55: {  	_ =	shalt  }
0x56: {  	_ =	shalt  }
0x57: {  	_ =	shalt  }
0x58: {  	_ =	shalt  }
0x59: {  	_ =	shalt  }
0x5a: {  	_ =	shalt  }
0x5b: {  	_ =	shalt  }
0x5c: {  	_ =	shalt  }
0x5d: {  	_ =	shalt  }
0x5e: {  	_ =	shalt  }
0x5f: {  	_ =	shalt  }
0x60: {  	_ =	shalt  }
0x61: {  	_ =	shalt  }
0x62: {  	_ =	shalt  }
0x63: {  	_ =	shalt  }
0x64: {  	_ =	shalt  }
0x65: {  	_ =	shalt  }
0x66: {  	_ =	shalt  }
0x67: {  	_ =	shalt  }
0x68: {  	_ =	shalt  }
0x69: {  	_ =	shalt  }
0x6a: {  	_ =	shalt  }
0x6b: {  	_ =	shalt  }
0x6c: {  	_ =	shalt  }
0x6d: {  	_ =	shalt  }
0x6e: {  	_ =	shalt  }
0x6f: {  	_ =	shalt  }
0x70: {  	_ =	shalt  }
0x71: {  	_ =	shalt  }
0x72: {  	_ =	shalt  }
0x73: {  	_ =	shalt  }
0x74: {  	_ =	shalt  }
0x75: {  	_ =	shalt  }
0x76: {  	_ =	shalt  }
0x77: {  	_ =	shalt  }
0x78: {  	_ =	shalt  }
0x79: {  	_ =	shalt  }
0x7a: {  	_ =	shalt  }
0x7b: {  	_ =	shalt  }
0x7c: {  	_ =	shalt  }
0x7d: {  	_ =	shalt  }
0x7e: {  	_ =	shalt  }
0x7f: {  	_ =	shalt  }
0x80: {  	_ =	shalt  }
0x81: {  	_ =	shalt  }
0x82: {  	_ =	shalt  }
0x83: {  	_ =	shalt  }
0x84: {  	_ =	shalt  }
0x85: {  	_ =	shalt  }
0x86: {  	_ =	shalt  }
0x87: {  	_ =	shalt  }
.Lfunc_end0:
.L_simem_size_0:
called_computation_lowered:
.L_overlay_start_0:
0x88: {  	s2 =	sld [smem:$0x3FD9]  }
0x89: {  	s3 =	sld [smem:$0x3FFE];
	_ =	sdelay $0x1  }
0x8a: {  	s1 =	srdreg.scid  }
0x8b: {  	s0 =	sand.u32 $0x1, s1  }
0x8c: {  	s17 =	sshll.u32 s0, $0xA;
	s2 =	sadd.s32 s3, s2  }
0x8d: {  	s2 =	sadd.s32 s2, s17  }
0x8e: {  	[smem:$0x3FC4] =	sst s2  }
0x8f: {  	_ = 	snop  }
0x90: {  	s2 =	sld [smem:$0x3FD0];
	(tm) =	ssettm $0x1  }
0x91: {  	s18 =	sld [smem:$0x3FFB];
	_ =	sdelay $0x3  }
0x92: {  	_ =	strace s18  }
0x93: {  	s3 =	sld [smem:$0x3FFC];
	_ =	sdelay $0x3  }
0x94: {  	_ =	strace s3  }
0x95: {  	s3 =	sld [smem:$0x3FFD];
	_ =	sdelay $0x3  }
0x96: {  	_ =	strace s3  }
0x97: {  	_ =	strace $0x8FFFFFFF  }
0x98: {  	s19 =	sld [smem:$0x3FDB];
	_ =	sdelay $0x1  }
0x99: {  	s4 =	simm.s32 $_scs_section_size  }
0x9a: {  	s5 =	simm.s32 $_size__tile_overlayer_lowered;
	s6 =	simm.s32 $_tile_overlayer_lowered  }
0x9b: {  	s22 =	simm.s32 $0x1BFF;
	s21 =	sshll.u32 s6, $0x1;
	s3 =	sadd.s32 s4, s19  }
0x9c: {  	s7 =	simm.s32 $0x0;
	s20 =	sshll.u32 s5, $0x1;
	s5 =	sadd.s32 s21, s3  }
0x9d: {  	[timem:s7], [sflag:s22] =	dma.local [hbm:s5], s20  }
0x9e: {  	_ =	swait.ge [sflag:s22], s20  }
0x9f: {  	s4 =	ssub.s32 $0x0, s20;
	[sflag:s22] =	ssyncset.done $0x0  }
0xa0: {  	[sflag:s22] =	ssyncadd.s32 s4;
	_ =	sdelay $0x1  }
0xa1: {  	s23 =	simm.s32 $0x1B8B  }
0xa2: {  	_ =	swait.ge [sflag:s23], $0x1  }
0xa3: {  	[sflag:s23] =	ssyncset.done $0x0  }
0xa4: {  	s25 =	simm.s32 $0x1B8E;
	s24 =	sld [smem:$0x3FFE];
	[sflag:s23] =	ssyncadd.s32 $0xFFFFFFFF  }
0xa5: {  	s26 =	simm.s32 $execute0_lowered;
	[smem:$0x3FD2] =	sst s25  }
0xa6: {  	s5 =	sshll.u32 s26, $0x1;
	_ =	strace $0x80000046;
	[dreg:$0x1] =	wrdreg $0xFFFFFFFF  }
0xa7: {  	s28 =	simm.s32 $_size_execute0_lowered;
	s3 =	sadd.s32 s3, s5;
	[dreg:$0x0] =	wrdreg $0x0  }
0xa8: {  	s5 =	sshll.u32 s28, $0x1;
	[dreg:$0x2] =	wrdreg s3  }
0xa9: {  	[dreg:$0x3] =	wrdreg s5  }
0xaa: {  	[dreg:$0x4] =	wrdreg $0xC0  }
0xab: {  	_ =	task [dreg:s7], $0x5FFFF  }
0xac: {  	[dreg:$0x1] =	wrdreg $0xFFFFFFFF  }
0xad: {  	[dreg:$0x0] =	wrdreg $0x60  }
0xae: {  	[dreg:$0x2] =	wrdreg s24  }
0xaf: {  	[dreg:$0x3] =	wrdreg s2  }
0xb0: {  	[dreg:$0x4] =	wrdreg $0x9  }
0xb1: {  	_ =	task.clear_ibuf [dreg:s7], $0x5FFFF;
	_ =	strace $0x90000046  }
0xb2: {  	s29 =	simm.s32 $0x9;
	_ =	strace $0x80000048  }
0xb3: {  	_ =	swait.ge [sflag:s29], $0x1  }
0xb4: {  	[sflag:s29] =	ssyncadd.s32 $0xFFFFFFFF  }
0xb5: {  	_ =	strace $0x90000048  }
0xb6: {  	_ =	sfence  }
0xb7: {  	s30 =	sld [smem:$0x0];
	_ =	sdelay $0x2  }
0xb8: {  	s31 =	sshll.u32 s1, $0xD;
	s1 =	sshrl.u32 s1, $0x2  }
0xb9: {  	s3 =	sand.u32 $0x4000, s31;
	s1 =	sadd.s32 s1, s30  }
0xba: {  	s0 =	sor.u32 s3, s0;
	s1 =	sshll.u32 s1, $0x11  }
0xbb: {  	s0 =	sor.u32 s1, s0  }
0xbc: {  	s0 =	sadd.s32 $0x8F2B, s0  }
0xbd: {  	[sflag:s0] =	ssyncadd.remote.s32 $0x1  }
0xbe: {  	_ =	sfence.sel $0xFFFF  }
0xbf: {  	[dreg:$0x0] =	wrdreg $0xFFFFFFFF;
	(pc) =	sbr.abs _section_cstart, $3  }
0xc0: {  	[dreg:$0x1] =	wrdreg $0xFFFFFFFF  }
0xc1: {  	_ =	task.clear_ibuf [dreg:s7], $0x2FFFF;
	_ =	strace $0x9FFFFFFF  }
0xc2: {  	(tm) =	ssettm $0x7FFFFFFF  }
0xc3: {  	_ =	shalt  }
tec
execute0_lowered:
.L_overlay_start_1:
0x0: {  	(tag) =	ssettag $0x1  }
0x1: {  	v0 =	vimm.f32 $1.500000000e+01;
	vm0 =	vcmask $0x300  }
0x2: {  	vm14 =	vcmask $0x704;
	v0 =	vsel vm0, $0x0, v0  }
0x3: {  	vm15 =	vcmask $0xB08;
	v0 =	vsel vm14, $0x3F800000, v0  }
0x4: {  	vm4 =	vcmask $0xF0C;
	v0 =	vsel vm15, $0x40000000, v0  }
0x5: {  	s0 =	srdreg.scid;
	s1 =	rddreg [dreg:$0x0];
	vm5 =	vcmask $0x1310;
	v0 =	vsel vm4, $0x40400000, v0  }
0x6: {  	s2 =	stileid.u32;
	s10 =	rddreg [dreg:$0x1];
	vm6 =	vcmask $0x1714;
	v0 =	vsel vm5, $0x40800000, v0  }
0x7: {  	vm7 =	vcmask $0x1B18;
	s12 =	simm.s32 $0x1;
	s13 =	simm.s32 $0x13D80;
	s14 =	simm.s32 $0x13E00;
	v0 =	vsel vm6, $0x40A00000, v0  }
0x8: {  	vm8 =	vcmask $0x1F1C;
	s17 =	simm.s32 $0x5E80;
	s0 =	sand.u32 $0x1, s0;
	s2 =	sshll.u32 s2, $0x1;
	v0 =	vsel vm7, $0x40C00000, v0  }
0x9: {  	vm9 =	vcmask $0x2320;
	s19 =	simm.s32 $0x0;
	s3 =	sadd.s32 $0xF1000, s1;
	s9 =	sor.u32 s0, s2;
	v0 =	vsel vm8, $0x40E00000, v0  }
0xa: {  	vm10 =	vcmask $0x2724;
	s29 =	sadd.s32 $0x37000, s1;
	s2 =	simm.s32 $0x0;
	s4 =	smul.u32 $0x1200, s9;
	v0 =	vsel vm9, $0x41000000, v0  }
0xb: {  	vm11 =	vcmask $0x2B28;
	s0 =	ssub.s32 $0x2, s0;
	[smem:$0x7FF] =	sst s2;
	s5 =	smul.u32 $0x900, s9;
	v0 =	vsel vm10, $0x41100000, v0  }
0xc: {  	vm12 =	vcmask $0x2F2C;
	s30 =	sshrl.u32 s0, $0x1;
	s31 =	sshll.u32 s9, $0x8;
	s9 =	sshll.u32 s9, $0x3;
	v0 =	vsel vm11, $0x41200000, v0  }
0xd: {  	vm13 =	vcmask $0x3330;
	_ =	strace $0x80000047;
	[dreg:$0x3] =	wrdreg s29;
	s0 =	ssub.s32 s0, s30;
	v0 =	vsel vm12, $0x41300000, v0  }
0xe: {  	vm14 =	vcmask $0x3734;
	s10 =	sadd.s32 s10, s31;
	s7 =	sadd.s32 s4, s1;
	s8 =	sadd.s32 s5, s1;
	v0 =	vsel vm13, $0x41400000, v0  }
0xf: {  	vm15 =	vcmask $0x3B38;
	s5 =	sadd.s32 $0x37200, s1;
	s1 =	sadd.s32 $0x37400, s1;
	s11 =	smax.u32 s0, $0x1;
	v0 =	vsel vm14, $0x41500000, v0  }
0x10: {  	v1 =	vimm.s32 $0x0;
	v2 =	vimm.f32 $0.0e+00;
	[dreg:$0x4] =	wrdreg s1;
	s7 =	sadd.s32 $0x1000, s7;
	s8 =	sadd.s32 $0x25000, s8;
	v0 =	vsel vm15, $0x41600000, v0  }
.LBB2_1:
0x11: {  	s20 =	simm.s32 $0x6580  }
0x12: {  	[tilespmem:s20], [sflag:$0x1] =	stream.linear.gather [hbm4b:s7+s2], $0x9000, $0x38;
	[tilespmem:$0x14780] =	vst v63  }
0x13: {  	_ =	swait.ge [sflag:s12], $0x9000  }
0x14: {  	[sflag:s12] =	ssyncset.done $0x0  }
0x15: {  	s21 =	simm.s32 $0xF580;
	[sflag:s12] =	ssyncadd.s32 $0xFFFF7000  }
0x16: {  	[tilespmem:s21], [sflag:$0x1] =	stream.linear.gather [hbm4b:s8+s2], $0x4800, $0x38;
	[tilespmem:$0x14780] =	vst v63  }
0x17: {  	_ =	swait.ge [sflag:s12], $0x4800  }
0x18: {  	[sflag:s12] =	ssyncset.done $0x0  }
0x19: {  	s0 =	rddreg [dreg:$0x3];
	[sflag:s12] =	ssyncadd.s32 $0xFFFFB800  }
0x1a: {  	[tilespmem:s13], [sflag:$0x1] =	stream.linear.gather [hbm4b:s0+s2], $0x80, $0x38;
	[tilespmem:$0x14780] =	vst v63  }
0x1b: {  	_ =	swait.ge [sflag:s12], $0x80  }
0x1c: {  	[sflag:s12] =	ssyncset.done $0x0  }
0x1d: {  	[sflag:s12] =	ssyncadd.s32 $0xFFFFFF80  }
0x1e: {  	[tilespmem:s14], [sflag:$0x1] =	stream.linear.gather [hbm4b:s5+s2], $0x80, $0x38;
	[tilespmem:$0x14780] =	vst v63  }
0x1f: {  	_ =	swait.ge [sflag:s12], $0x80  }
0x20: {  	[sflag:s12] =	ssyncset.done $0x0  }
0x21: {  	s1 =	simm.s32 $0x13E80;
	s30 =	rddreg [dreg:$0x4];
	[sflag:s12] =	ssyncadd.s32 $0xFFFFFF80  }
0x22: {  	[tilespmem:s1], [sflag:$0x1] =	stream.linear.gather [hbm4b:s30+s2], $0x80, $0x38;
	[tilespmem:$0x14780] =	vst v63  }
0x23: {  	_ =	swait.ge [sflag:s12], $0x80  }
0x24: {  	[sflag:s12] =	ssyncset.done $0x0  }
0x25: {  	s31 =	simm.s32 $0x13F00;
	[sflag:s12] =	ssyncadd.s32 $0xFFFFFF80  }
0x26: {  	[tilespmem:s31], [sflag:$0x1] =	stream.linear.gather [hbm4b:s5+s2], $0x80, $0x38;
	[tilespmem:$0x14780] =	vst v63  }
0x27: {  	_ =	swait.ge [sflag:s12], $0x80  }
0x28: {  	[sflag:s12] =	ssyncset.done $0x0  }
0x29: {  	[sflag:s12] =	ssyncadd.s32 $0xFFFFFF80  }
0x2a: {  	v3 =	vld [tilespmem:$0x13E80]  }
0x2b: {  	v4 =	vld [tilespmem:$0x13E90]  }
0x2c: {  	v5 =	vld [tilespmem:$0x13EA0]  }
0x2d: {  	v6 =	vld [tilespmem:$0x13EB0]  }
0x2e: {  	v7 =	vld [tilespmem:$0x13F00]  }
0x2f: {  	v8 =	vld [tilespmem:$0x13F10]  }
0x30: {  	v9 =	vld [tilespmem:$0x13F20]  }
0x31: {  	s22 =	simm.s32 $0x0;
	v10 =	vld [tilespmem:$0x13F30]  }
.LBB2_2:
0x32: {  	s0 =	sadd.s32 s9, s22  }
0x33: {  	s0 =	smul.u32 $0xBD0, s0  }
0x34: {  	s28 =	simm.s32 $0x0  }
0x35: {  	s15 =	simm.s32 $0xE0;
	s29 =	smul.u32 $0x39, s28;
	s1 =	sadd.s32 s3, s0  }
0x36: {  	[tilespmem:s28], [sflag:$0x1] =	stream.linear.gather [hbm4b:s1+s28], $0x5E80, $0x38;
	[tilespmem:$0x14780] =	vst v63  }
0x37: {  	v11 =	vadd.s32 s15, v5;
	s1 =	sshrl.u32 s29, $0xA  }
0x38: {  	v12 =	vadd.s32 s15, v3;
	s1 =	sand.u32 $0x3F, s1  }
0x39: {  	v13 =	vadd.s32 s28, v5;
	_ =	swait.ge [sflag:s12], $0x5E80;
	s16 =	smul.u32 $0x12, s1  }
0x3a: {  	v14 =	vadd.s32 s28, v3;
	[sflag:s12] =	ssyncset.done $0x0  }
0x3b: {  	[sflag:s12] =	ssyncadd.s32 $0xFFFFA180;
	s16 =	ssub.s32 $0x0, s16  }
0x3c: {  	v11 =	vld.idx.msk [tilespmem:v11+s2+$0x0], $0xffff;
	s16 =	sand.u32 $0xFF, s16  }
0x3d: {  	v12 =	vld.idx.msk [tilespmem:v12+s2+$0x0], $0xffff;
	v15 =	vmov s16;
	s23 =	sor.u32 $0x20, s16  }
0x3e: {  	v13 =	vld.idx.msk [tilespmem:v13+s2+$0x0], $0xffff;
	v16 =	vmov s23  }
0x3f: {  	v14 =	vld.idx.msk [tilespmem:v14+s2+$0x0], $0xffff;
	_ =	sdelay $0x2  }
0x40: {  	v15 =	vld.idx.msk [tilespmem:v15+s14+$0x0], $0xffff  }
0x41: {  	v11 =	vmul.f32 v11, v9;
	v12 =	vmul.f32 v12, v7;
	v16 =	vld.idx.msk [tilespmem:v16+s14+$0x0], $0xffff  }
0x42: {  	v13 =	vmul.f32 v13, v9;
	v14 =	vmul.f32 v14, v7;
	_ =	sdelay $0x1  }
0x43: {  	v11 =	vadd.f32 v11, v12;
	v12 =	vadd.f32 v13, v14;
	_ =	sdelay $0x1  }
0x44: {  	s1 =	smul.u32 $0x900, s1;
	v13 =	vadd.s32 s15, v6;
	v12 =	vmul.f32 v12, v15;
	v11 =	vmul.f32 v11, v16  }
0x45: {  	v14 =	vadd.s32 s15, v4  }
0x46: {  	v17 =	vadd.s32 s28, v6;
	s1 =	sshrl.u32 s1, $0x2;
	s30 =	sshll.u32 s16, $0x5;
	v11 =	vadd.f32 v11, v12  }
0x47: {  	s24 =	sadd.s32 s30, s1;
	v12 =	vadd.s32 s28, v4  }
0x48: {  	[tilespmem:s24+$0x5E80] =	vst v11  }
0x49: {  	v11 =	vld.idx.msk [tilespmem:v13+s2+$0x0], $0xffff  }
0x4a: {  	v13 =	vld.idx.msk [tilespmem:v14+s2+$0x0], $0xffff  }
0x4b: {  	v14 =	vld.idx.msk [tilespmem:v17+s2+$0x0], $0xffff  }
0x4c: {  	v12 =	vld.idx.msk [tilespmem:v12+s2+$0x0], $0xffff;
	_ =	sdelay $0x3  }
0x4d: {  	v13 =	vmul.f32 v13, v8;
	v11 =	vmul.f32 v11, v10  }
0x4e: {  	v14 =	vmul.f32 v14, v10;
	v12 =	vmul.f32 v12, v8  }
0x4f: {  	s1 =	simm.s32 $0x1;
	v11 =	vadd.f32 v11, v13  }
0x50: {  	s31 =	smul.u32 $0x39, s1;
	v14 =	vadd.f32 v14, v12  }
0x51: {  	s23 =	simm.s32 $0x2A0;
	v13 =	vmul.f32 v11, v16  }
0x52: {  	s0 =	simm.s32 $0x1C0;
	s16 =	sshrl.u32 s31, $0xA;
	s15 =	simm.s32 $0x2;
	v11 =	vadd.s32 s23, v3;
	v12 =	vadd.s32 s23, v5;
	v14 =	vmul.f32 v14, v15  }
.LBB2_3:
0x53: {  	p0 =	seq.s32 s15, $0x35  }
0x54: {  	s16 =	sand.u32 $0x3F, s16;
	s25 =	smov.u32 s15;
	s15 =	sadd.s32 $0x1, s15  }
0x55: {  	v15 =	vadd.s32 s0, v5;
	s26 =	smul.u32 $0x12, s16;
	v13 =	vadd.f32 v13, v14  }
0x56: {  	v14 =	vadd.s32 s0, v3;
	s16 =	smul.u32 $0x900, s16  }
0x57: {  	s26 =	ssub.s32 s1, s26;
	[tilespmem:s24+$0x5E90] =	vst v13;
	s1 =	smov.u32 s25  }
0x58: {  	s24 =	sand.u32 $0xFF, s26;
	v12 =	vld.idx.msk [tilespmem:v12+s2+$0x0], $0xffff  }
0x59: {  	v13 =	vmov s24;
	s25 =	sor.u32 $0x20, s24;
	v11 =	vld.idx.msk [tilespmem:v11+s2+$0x0], $0xffff;
	s24 =	sshll.u32 s24, $0x5  }
0x5a: {  	v16 =	vmov s25;
	v15 =	vld.idx.msk [tilespmem:v15+s2+$0x0], $0xffff  }
0x5b: {  	v14 =	vld.idx.msk [tilespmem:v14+s2+$0x0], $0xffff;
	_ =	sdelay $0x2  }
0x5c: {  	v12 =	vmul.f32 v12, v9;
	v17 =	vld.idx.msk [tilespmem:v13+s14+$0x0], $0xffff  }
0x5d: {  	v11 =	vmul.f32 v11, v7;
	v13 =	vld.idx.msk [tilespmem:v16+s14+$0x0], $0xffff  }
0x5e: {  	v15 =	vmul.f32 v15, v9  }
0x5f: {  	v14 =	vmul.f32 v14, v7;
	v11 =	vadd.f32 v12, v11;
	_ =	sdelay $0x1  }
0x60: {  	v12 =	vadd.f32 v15, v14;
	_ =	sdelay $0x1  }
0x61: {  	v14 =	vadd.s32 s23, v6;
	v12 =	vmul.f32 v12, v17;
	v11 =	vmul.f32 v11, v13  }
0x62: {  	v15 =	vadd.s32 s23, v4  }
0x63: {  	s16 =	sshrl.u32 s16, $0x2;
	v16 =	vadd.s32 s0, v6;
	v11 =	vadd.f32 v11, v12;
	v12 =	vadd.s32 s0, v4  }
0x64: {  	s24 =	sadd.s32 s24, s16  }
0x65: {  	[tilespmem:s24+$0x5E80] =	vst v11  }
0x66: {  	v11 =	vld.idx.msk [tilespmem:v14+s2+$0x0], $0xffff  }
0x67: {  	v14 =	vld.idx.msk [tilespmem:v15+s2+$0x0], $0xffff  }
0x68: {  	v12 =	vld.idx.msk [tilespmem:v12+s2+$0x0], $0xffff  }
0x69: {  	v15 =	vld.idx.msk [tilespmem:v16+s2+$0x0], $0xffff;
	_ =	sdelay $0x3  }
0x6a: {  	v11 =	vmul.f32 v11, v10;
	v14 =	vmul.f32 v14, v8  }
0x6b: {  	v12 =	vmul.f32 v12, v8  }
.Ltmp0:
0x6c: {  	v15 =	vmul.f32 v15, v10;
	v11 =	vadd.f32 v11, v14;
	(pc) =	sbr.rel @!p0 .LBB2_3-.Ltmp0, $4  }
0x6d: {  	_ = 	snop  }
0x6e: {  	s16 =	smul.u32 $0x39, s1;
	s0 =	sadd.s32 $0x1C0, s0;
	v14 =	vadd.f32 v15, v12;
	v13 =	vmul.f32 v11, v13  }
0x6f: {  	s23 =	sadd.s32 $0xE0, s0  }
0x70: {  	s16 =	sshrl.u32 s16, $0xA;
	v11 =	vadd.s32 s23, v3;
	v12 =	vadd.s32 s23, v5;
	v14 =	vmul.f32 v14, v17  }
0x71: {  	s15 =	sand.u32 $0x3F, s16  }
0x72: {  	v15 =	vadd.s32 s0, v5;
	s16 =	smul.u32 $0x12, s15;
	v13 =	vadd.f32 v13, v14  }
0x73: {  	v56 =	vadd.s32 s0, v3  }
0x74: {  	s1 =	ssub.s32 s1, s16;
	[tilespmem:s24+$0x5E90] =	vst v13  }
0x75: {  	s1 =	sand.u32 $0xFF, s1;
	v12 =	vld.idx.msk [tilespmem:v12+s2+$0x0], $0xffff  }
0x76: {  	v11 =	vld.idx.msk [tilespmem:v11+s2+$0x0], $0xffff;
	v57 =	vmov s1;
	s29 =	sor.u32 $0x20, s1  }
0x77: {  	v15 =	vld.idx.msk [tilespmem:v15+s2+$0x0], $0xffff;
	v16 =	vmov s29  }
0x78: {  	v14 =	vld.idx.msk [tilespmem:v56+s2+$0x0], $0xffff;
	_ =	sdelay $0x2  }
0x79: {  	v13 =	vld.idx.msk [tilespmem:v57+s14+$0x0], $0xffff  }
0x7a: {  	v12 =	vmul.f32 v12, v9;
	v11 =	vmul.f32 v11, v7;
	v16 =	vld.idx.msk [tilespmem:v16+s14+$0x0], $0xffff  }
0x7b: {  	v15 =	vmul.f32 v15, v9;
	v14 =	vmul.f32 v14, v7;
	_ =	sdelay $0x1  }
0x7c: {  	v11 =	vadd.f32 v12, v11;
	v58 =	vadd.f32 v15, v14;
	_ =	sdelay $0x1  }
0x7d: {  	v59 =	vadd.s32 s23, v6;
	s15 =	smul.u32 $0x900, s15;
	v12 =	vmul.f32 v58, v13;
	v11 =	vmul.f32 v11, v16  }
0x7e: {  	v60 =	vadd.s32 s23, v4  }
0x7f: {  	v61 =	vadd.s32 s0, v4;
	s15 =	sshrl.u32 s15, $0x2;
	s1 =	sshll.u32 s1, $0x5;
	v11 =	vadd.f32 v11, v12  }
0x80: {  	v17 =	vadd.s32 s0, v6;
	s30 =	sadd.s32 s1, s15  }
0x81: {  	[tilespmem:s30+$0x5E80] =	vst v11  }
0x82: {  	v11 =	vld.idx.msk [tilespmem:v59+s2+$0x0], $0xffff  }
0x83: {  	v62 =	vld.idx.msk [tilespmem:v60+s2+$0x0], $0xffff  }
0x84: {  	v12 =	vld.idx.msk [tilespmem:v61+s2+$0x0], $0xffff  }
0x85: {  	v63 =	vld.idx.msk [tilespmem:v17+s2+$0x0], $0xffff;
	_ =	sdelay $0x3  }
0x86: {  	v14 =	vmul.f32 v62, v8;
	v11 =	vmul.f32 v11, v10  }
0x87: {  	v12 =	vmul.f32 v12, v8;
	v15 =	vmul.f32 v63, v10;
	_ =	sdelay $0x1  }
0x88: {  	v11 =	vadd.f32 v11, v14;
	v12 =	vadd.f32 v15, v12;
	_ =	sdelay $0x1  }
0x89: {  	v11 =	vmul.f32 v11, v16;
	v12 =	vmul.f32 v12, v13;
	_ =	sdelay $0x1  }
0x8a: {  	v11 =	vadd.f32 v11, v12;
	_ =	sdelay $0x1  }
0x8b: {  	s31 =	sshll.u32 s22, $0x8;
	[tilespmem:s30+$0x5E90] =	vst v11;
	v11 =	vmov s20  }
0x8c: {  	s25 =	simm.s32 $0x0;
	s26 =	simm.s32 $0x0;
	s0 =	sand.u32 $0x3FFFFF00, s31  }
0x8d: {  	s28 =	simm.s32 $0x0;
	s23 =	sadd.s32 $0x13F80, s0;
	s24 =	simm.s32 $0x0  }
.LBB2_5:
0x8e: {  	s0 =	sshll.u32 s26, $0x2;
	s1 =	sand.u32 $0x7, s25;
	s15 =	smul.u32 $0xAB, s24  }
0x8f: {  	s0 =	sand.u32 $0xFFFFFE00, s0;
	s1 =	sshll.u32 s1, $0x6  }
0x90: {  	s0 =	sor.u32 s1, s0;
	s18 =	sshrl.u32 s15, $0x9  }
0x91: {  	s4 =	sshra.s32 s0, $0x2;
	s1 =	sand.u32 $0x7F, s18  }
0x92: {  	v12 =	vld.idx.msk [tilespmem:v11+s4+$0x0 ss:$0x1], $0xffff;
	s16 =	smul.u32 $0x3, s1  }
0x93: {  	v13 =	vld.idx.msk [tilespmem:v11+s4+$0x100 ss:$0x1], $0xffff  }
0x94: {  	s1 =	sadd.s32 s1, s28;
	s6 =	ssub.s32 $0x0, s16  }
0x95: {  	s1 =	scvt.s32.f32 s1;
	s15 =	sand.u32 $0xFF, s6  }
0x96: {  	s15 =	scvt.s32.f32 s15  }
0x97: {  	v14 =	vadd.f32 s1, v12  }
0x98: {  	v13 =	vadd.f32 s15, v13  }
0x99: {  	v15 =	vtrunc.f32 v14  }
0x9a: {  	v13 =	vadd.f32 v0, v13;
	v18 =	vcvt.f32.s32 v15;
	vm0 =	vlt.f32 v14, v15  }
0x9b: {  	v15 =	vsel vm0, $0xFFFFFFFF, v1  }
0x9c: {  	v19 =	vtrunc.f32 v13;
	v15 =	vadd.s32 v18, v15  }
0x9d: {  	v18 =	vcvt.f32.s32 v19;
	vm11 =	vlt.f32 v13, v19;
	vm1 =	vgt.s32 v15, $0x0  }
0x9e: {  	v19 =	vcvt.s32.f32 v15;
	vm12 =	vlt.u32 v15, $0x12;
	v20 =	vsel vm11, $0xFFFFFFFF, v1  }
0x9f: {  	v21 =	vnsel vm1, $0x0, v15;
	v18 =	vadd.s32 v18, v20;
	v20 =	vadd.s32 $0x1, v15  }
0xa0: {  	v14 =	vsub.f32 v14, v19;
	v21 =	vmin.u32 v21, $0x11;
	vm13 =	vgt.s32 v18, $0x0  }
0xa1: {  	v15 =	vadd.s32 $0x1, v18;
	vm2 =	vgt.s32 v20, $0x0;
	v21 =	vshll.u32 v21, $0x5  }
0xa2: {  	v24 =	vcvt.s32.f32 v18;
	vm4 =	vlt.u32 v18, $0x12;
	vm5 =	vlt.u32 v20, $0x12  }
0xa3: {  	v19 =	vnsel vm13, $0x0, v18;
	vm14 =	vgt.s32 v15, $0x0;
	v23 =	vnsel vm2, $0x0, v20  }
0xa4: {  	vm15 =	vlt.u32 v15, $0x12;
	v20 =	vsel vm12, $0x3F800000, v2;
	v29 =	vsel vm4, $0x3F800000, v2  }
0xa5: {  	v19 =	vmin.u32 v19, $0x11;
	v22 =	vnsel vm14, $0x0, v15;
	v23 =	vmin.u32 v23, $0x11  }
0xa6: {  	v13 =	vsub.f32 v13, v24;
	v15 =	vadd.s32 $0x480, v21;
	v25 =	vor.u32 v21, v19  }
0xa7: {  	s1 =	sadd.s32 $0x800, s0;
	v22 =	vmin.u32 v22, $0x11;
	v23 =	vshll.u32 v23, $0x5;
	v26 =	vadd.s32 $0x240, v25  }
0xa8: {  	s6 =	sshra.s32 s1, $0x2;
	v18 =	vsel vm15, $0x3F800000, v2;
	v27 =	vor.u32 v21, v22;
	v22 =	vor.u32 v23, v22  }
0xa9: {  	v31 =	vld.idx.msk [tilespmem:v11+s6+$0x0 ss:$0x1], $0xffff;
	v21 =	vsub.f32 $1.000000000e+00, v14;
	v28 =	vsub.f32 $1.000000000e+00, v13;
	v13 =	vmul.f32 v18, v13  }
0xaa: {  	v36 =	vld.idx.msk [tilespmem:v11+s6+$0x100 ss:$0x1], $0xffff;
	v19 =	vor.u32 v19, v23;
	v23 =	vadd.s32 $0x480, v23;
	v24 =	vadd.s32 $0x240, v27  }
0xab: {  	s29 =	simm.s32 $0x1;
	v32 =	vadd.s32 $0x240, v19;
	v18 =	vmul.f32 v28, v29;
	v29 =	vand.u32 $0x7F, v25;
	v25 =	vld.idx.msk [tilespmem:v25+s17+$0x0], $0xffff  }
0xac: {  	s4 =	smul.u32 $0xAB, s29;
	v35 =	vand.u32 $0x7F, v19;
	v23 =	vand.u32 $0xF80, v23;
	v20 =	vmul.f32 v21, v20;
	v21 =	vld.idx.msk [tilespmem:v26+s17+$0x0], $0xffff  }
0xad: {  	v30 =	vsel vm5, $0x3F800000, v2;
	v35 =	vor.u32 v35, v23;
	v28 =	vld.idx.msk [tilespmem:v22+s17+$0x0], $0xffff  }
0xae: {  	v54 =	vmov s24;
	s18 =	simm.s32 $0x12;
	s16 =	simm.s32 $0x9;
	s15 =	sshrl.u32 s4, $0x9;
	v15 =	vand.u32 $0xF80, v15;
	v14 =	vmul.f32 v30, v14;
	v34 =	vld.idx.msk [tilespmem:v27+s17+$0x0], $0xffff  }
0xaf: {  	v16 =	vmov s18;
	v17 =	vmov s16;
	s15 =	sand.u32 $0x7F, s15;
	v29 =	vor.u32 v15, v29;
	v19 =	vld.idx.msk [tilespmem:v19+s17+$0x0], $0xffff  }
0xb0: {  	s30 =	smul.u32 $0x3, s15;
	v33 =	vmul.f32 v13, v14;
	v26 =	vadd.s32 $0x240, v22;
	v22 =	vand.u32 $0x7F, v22;
	v24 =	vld.idx.msk [tilespmem:v24+s17+$0x0], $0xffff  }
0xb1: {  	s15 =	sadd.s32 s15, s28;
	v30 =	vmul.f32 v18, v20;
	v27 =	vand.u32 $0x7F, v27;
	v22 =	vor.u32 v23, v22;
	v23 =	vld.idx.msk [tilespmem:v32+s17+$0x0], $0xffff  }
0xb2: {  	s15 =	scvt.s32.f32 s15;
	s18 =	ssub.s32 $0x1, s30;
	v20 =	vmul.f32 v13, v20;
	v18 =	vmul.f32 v18, v14;
	v27 =	vor.u32 v15, v27;
	v35 =	vld.idx.msk [tilespmem:v35+s17+$0x0], $0xffff  }
0xb3: {  	v12 =	vimm.f32 $0.0e+00;
	s16 =	sand.u32 $0xFF, s18;
	v25 =	vmul.f32 v30, v25;
	v28 =	vmul.f32 v33, v28  }
0xb4: {  	s31 =	simm.s32 $0xA;
	s4 =	scvt.s32.f32 s16;
	v29 =	vld.idx.msk [tilespmem:v29+s17+$0x0], $0xffff;
	v53 =	vmul.f32 v30, v21;
	v21 =	vadd.f32 s15, v31;
	v19 =	vmul.f32 v18, v19  }
0xb5: {  	v13 =	vmov s31;
	v31 =	vmul.f32 v20, v24;
	v24 =	vmul.f32 v20, v34  }
0xb6: {  	s30 =	simm.s32 $0x13;
	v15 =	vadd.f32 s4, v36;
	v26 =	vld.idx.msk [tilespmem:v26+s17+$0x0], $0xffff;
	v56 =	vmul.f32 v18, v23;
	v37 =	vtrunc.f32 v21  }
0xb7: {  	v14 =	vmov s30;
	v27 =	vld.idx.msk [tilespmem:v27+s17+$0x0], $0xffff;
	v18 =	vmul.f32 v35, v18;
	v55 =	vcvt.f32.s32 v37  }
0xb8: {  	vm6 =	vlt.f32 v21, v37;
	v24 =	vadd.f32 v24, v25;
	v25 =	vadd.f32 v0, v15  }
0xb9: {  	v38 =	vld.idx.msk [tilespmem:v22+s17+$0x0], $0xffff;
	v29 =	vmul.f32 v29, v30;
	v31 =	vadd.f32 v31, v53;
	v15 =	vsel vm6, $0xFFFFFFFF, v1  }
0xba: {  	v23 =	vadd.s32 v55, v15;
	v19 =	vadd.f32 v24, v19;
	v24 =	vtrunc.f32 v25  }
0xbb: {  	v15 =	vmul.f32 v33, v26;
	vm7 =	vgt.s32 v23, $0x0;
	v26 =	vcvt.f32.s32 v24  }
0xbc: {  	vm8 =	vlt.f32 v25, v24;
	v20 =	vmul.f32 v27, v20;
	v24 =	vcvt.s32.f32 v23  }
0xbd: {  	vm9 =	vlt.u32 v23, $0x12;
	v27 =	vsel vm8, $0xFFFFFFFF, v1;
	v57 =	vnsel vm7, $0x0, v23  }
0xbe: {  	v60 =	vadd.f32 v19, v28;
	v19 =	vmul.f32 v38, v33;
	v38 =	vadd.f32 v31, v56  }
0xbf: {  	v26 =	vadd.s32 v26, v27;
	v27 =	vadd.s32 $0x1, v23;
	v58 =	vsub.f32 v21, v24  }
0xc0: {  	v23 =	vmin.u32 v57, $0x11;
	v20 =	vadd.f32 v20, v29;
	v29 =	vsel vm9, $0x3F800000, v2  }
0xc1: {  	v24 =	vadd.s32 $0x1, v26;
	vm10 =	vgt.s32 v26, $0x0;
	vm11 =	vgt.s32 v27, $0x0  }
0xc2: {  	v61 =	vld.idx.msk [tilespmem:v54+s13+$0x0], $0xffff;
	v59 =	vcvt.s32.f32 v26;
	v40 =	vshll.u32 v23, $0x5;
	vm14 =	vlt.u32 v26, $0x12  }
0xc3: {  	vm15 =	vlt.u32 v27, $0x12;
	v21 =	vnsel vm10, $0x0, v26;
	vm12 =	vgt.s32 v24, $0x0  }
0xc4: {  	v41 =	vnsel vm11, $0x0, v27;
	vm13 =	vlt.u32 v24, $0x12;
	v27 =	vsub.f32 $1.000000000e+00, v58  }
0xc5: {  	v62 =	vsel vm15, $0x3F800000, v2;
	v22 =	vmin.u32 v21, $0x11;
	v21 =	vnsel vm12, $0x0, v24  }
0xc6: {  	v25 =	vsub.f32 v25, v59;
	v30 =	vmin.u32 v41, $0x11;
	v26 =	vsel vm13, $0x3F800000, v2  }
0xc7: {  	s0 =	sshrl.u32 s0, $0x2;
	v24 =	vadd.f32 v18, v20;
	v41 =	vmul.f32 v60, v61;
	v42 =	vor.u32 v40, v22  }
0xc8: {  	s6 =	sadd.s32 s0, s21;
	v39 =	vmin.u32 v21, $0x11;
	v34 =	vshll.u32 v30, $0x5;
	v28 =	vadd.s32 $0x240, v42  }
0xc9: {  	v18 =	vld [tilespmem:s6+$0x0];
	v32 =	vmul.f32 v62, v58;
	v30 =	vsel vm14, $0x3F800000, v2;
	v35 =	vor.u32 v34, v39  }
0xca: {  	v21 =	vor.u32 v40, v39;
	v20 =	vsub.f32 $1.000000000e+00, v25;
	v43 =	vmul.f32 v26, v25;
	v25 =	vld.idx.msk [tilespmem:v17+s13+$0x0], $0xffff  }
0xcb: {  	v63 =	vmul.f32 v27, v29;
	v40 =	vadd.s32 $0x480, v40;
	v26 =	vld.idx.msk [tilespmem:v16+s13+$0x0], $0xffff;
	v23 =	vadd.s32 $0x240, v21  }
0xcc: {  	v31 =	vadd.f32 $0.0e+00, v41;
	v39 =	vand.u32 $0x7F, v21;
	v29 =	vmul.f32 v20, v30;
	v33 =	vld.idx.msk [tilespmem:v42+s17+$0x0], $0xffff  }
0xcd: {  	s0 =	sadd.s32 $0x800, s1;
	s1 =	sadd.s32 $0x100, s6;
	s18 =	sshll.u32 s28, $0x4;
	v37 =	vand.u32 $0xF80, v40;
	v30 =	vand.u32 $0x7F, v42;
	v20 =	vmul.f32 v43, v63;
	v27 =	vld.idx.msk [tilespmem:v28+s17+$0x0], $0xffff  }
0xce: {  	s31 =	sand.u32 $0x80, s18;
	s30 =	sand.u32 $0x70, s18;
	s15 =	simm.s32 $0x2;
	v16 =	vmul.f32 v43, v32;
	v17 =	vmul.f32 v29, v63;
	v28 =	vadd.s32 $0x240, v35;
	v36 =	vld.idx.msk [tilespmem:v35+s17+$0x0], $0xffff  }
.LBB2_6:
0xcf: {  	s18 =	smul.u32 $0xAB, s15  }
0xd0: {  	s4 =	sshra.s32 s0, $0x2;
	v22 =	vor.u32 v22, v34;
	v23 =	vld.idx.msk [tilespmem:v23+s17+$0x0], $0xffff;
	v15 =	vadd.f32 v38, v15;
	v19 =	vadd.f32 v19, v24;
	s6 =	smov.u32 s15;
	s16 =	sadd.s32 $0x1, s15  }
0xd1: {  	p0 =	sne.s32 s15, $0x8;
	v35 =	vand.u32 $0x7F, v35;
	v34 =	vadd.s32 $0x480, v34;
	v24 =	vld.idx.msk [tilespmem:v11+s4+$0x0 ss:$0x1], $0xffff;
	v38 =	vadd.s32 $0x240, v22  }
0xd2: {  	v40 =	vand.u32 $0x7F, v22;
	v34 =	vand.u32 $0xF80, v34;
	s15 =	sshrl.u32 s18, $0x9;
	s18 =	sadd.s32 $0x9, s6;
	v21 =	vld.idx.msk [tilespmem:v21+s17+$0x0], $0xffff;
	v15 =	vmul.f32 v15, v25  }
0xd3: {  	v40 =	vor.u32 v40, v34;
	v34 =	vor.u32 v34, v35;
	s15 =	sand.u32 $0x7F, s15;
	v25 =	vld.idx.msk [tilespmem:v11+s4+$0x100 ss:$0x1], $0xffff;
	v41 =	vmov s18  }
0xd4: {  	v35 =	vor.u32 v37, v39;
	v19 =	vmul.f32 v19, v26;
	s18 =	sadd.s32 $0x12, s6;
	s4 =	smul.u32 $0x3, s15;
	s15 =	sadd.s32 s15, s28;
	v15 =	vadd.f32 v31, v15  }
0xd5: {  	v31 =	vmov s18;
	s15 =	scvt.s32.f32 s15;
	v22 =	vld.idx.msk [tilespmem:v22+s17+$0x0], $0xffff  }
0xd6: {  	v27 =	vmul.f32 v17, v27;
	v26 =	vmul.f32 v16, v36;
	s4 =	ssub.s32 s6, s4;
	v36 =	vld.idx.msk [tilespmem:v38+s17+$0x0], $0xffff;
	v15 =	vadd.f32 v15, v19  }
0xd7: {  	s4 =	sand.u32 $0xFF, s4;
	v19 =	vadd.f32 s15, v24;
	v24 =	vmul.f32 v29, v32;
	v28 =	vld.idx.msk [tilespmem:v28+s17+$0x0], $0xffff;
	v29 =	vmul.f32 v20, v23  }
0xd8: {  	v21 =	vmul.f32 v20, v21;
	v32 =	vmov s29;
	s29 =	smov.u32 s6;
	s4 =	scvt.s32.f32 s4;
	v23 =	vld.idx.msk [tilespmem:v40+s17+$0x0], $0xffff;
	v15 =	vmul.f32 v15, v18  }
0xd9: {  	v30 =	vor.u32 v37, v30;
	v33 =	vmul.f32 v17, v33;
	v18 =	vtrunc.f32 v19;
	v35 =	vld.idx.msk [tilespmem:v35+s17+$0x0], $0xffff  }
0xda: {  	v25 =	vadd.f32 s4, v25;
	v37 =	vcvt.f32.s32 v18;
	v12 =	vadd.f32 v15, v12  }
0xdb: {  	vm0 =	vlt.f32 v19, v18;
	v15 =	vadd.f32 v21, v33;
	v18 =	vmul.f32 v24, v22  }
0xdc: {  	v21 =	vsel vm0, $0xFFFFFFFF, v1;
	v33 =	vmul.f32 v24, v36;
	v25 =	vadd.f32 v0, v25  }
0xdd: {  	v21 =	vadd.s32 v37, v21;
	v18 =	vadd.f32 v15, v18;
	v15 =	vmul.f32 v16, v28  }
0xde: {  	vm0 =	vgt.s32 v21, $0x0;
	v24 =	vmul.f32 v23, v24;
	v22 =	vtrunc.f32 v25;
	v28 =	vld.idx.msk [tilespmem:v30+s17+$0x0], $0xffff  }
0xdf: {  	v20 =	vmul.f32 v35, v20;
	v23 =	vcvt.f32.s32 v22;
	vm1 =	vlt.f32 v25, v22  }
0xe0: {  	v35 =	vnsel vm0, $0x0, v21;
	v22 =	vcvt.s32.f32 v21;
	v30 =	vsel vm1, $0xFFFFFFFF, v1  }
0xe1: {  	v36 =	vadd.s32 $0x1, v21;
	vm0 =	vlt.u32 v21, $0x12;
	v30 =	vadd.s32 v23, v30  }
0xe2: {  	v37 =	vsub.f32 v19, v22;
	v38 =	vadd.s32 $0x1, v30;
	vm1 =	vgt.s32 v30, $0x0;
	v19 =	vld.idx.msk [tilespmem:v34+s17+$0x0], $0xffff  }
0xe3: {  	vm2 =	vgt.s32 v36, $0x0;
	v21 =	vnsel vm1, $0x0, v30;
	vm1 =	vgt.s32 v38, $0x0  }
0xe4: {  	v23 =	vmin.u32 v35, $0x11;
	v22 =	vmin.u32 v21, $0x11;
	v21 =	vnsel vm1, $0x0, v38  }
0xe5: {  	v34 =	vcvt.s32.f32 v30;
	v39 =	vshll.u32 v23, $0x5;
	v35 =	vmin.u32 v21, $0x11  }
0xe6: {  	v40 =	vnsel vm2, $0x0, v36;
	v42 =	vor.u32 v39, v22;
	v21 =	vor.u32 v39, v35  }
0xe7: {  	v17 =	vmul.f32 v28, v17;
	v25 =	vsub.f32 v25, v34;
	v23 =	vadd.s32 $0x240, v21  }
0xe8: {  	v26 =	vadd.f32 v18, v26;
	v28 =	vmin.u32 v40, $0x11;
	v19 =	vmul.f32 v19, v16  }
0xe9: {  	v40 =	vadd.s32 $0x480, v39;
	vm1 =	vlt.u32 v38, $0x12;
	v17 =	vadd.f32 v20, v17;
	v16 =	vld.idx.msk [tilespmem:v32+s13+$0x0], $0xffff  }
0xea: {  	vm2 =	vlt.u32 v30, $0x12;
	v20 =	vsel vm1, $0x3F800000, v2;
	v30 =	vadd.s32 $0x240, v42  }
0xeb: {  	v34 =	vshll.u32 v28, $0x5;
	vm1 =	vlt.u32 v36, $0x12;
	v32 =	vsub.f32 $1.000000000e+00, v37  }
0xec: {  	v28 =	vsel vm0, $0x3F800000, v2;
	v36 =	vsel vm2, $0x3F800000, v2;
	v24 =	vadd.f32 v24, v17  }
0xed: {  	v38 =	vadd.f32 v29, v27;
	v35 =	vor.u32 v34, v35;
	v17 =	vsub.f32 $1.000000000e+00, v25;
	v18 =	vld [tilespmem:s1+$0x0]  }
.Ltmp1:
0xee: {  	v39 =	vsel vm1, $0x3F800000, v2;
	v44 =	vmul.f32 v20, v25;
	v43 =	vmul.f32 v32, v28;
	v25 =	vld.idx.msk [tilespmem:v13+s13+$0x0], $0xffff;
	v13 =	vmovc v41;
	(pc) =	sbr.rel @p0 .LBB2_6-.Ltmp1, $4  }
0xef: {  	v29 =	vmul.f32 v17, v36;
	v28 =	vadd.s32 $0x240, v35;
	v16 =	vmul.f32 v26, v16;
	v27 =	vld.idx.msk [tilespmem:v30+s17+$0x0], $0xffff  }
0xf0: {  	v38 =	vadd.f32 v38, v33;
	v32 =	vmul.f32 v39, v37;
	v30 =	vand.u32 $0x7F, v42;
	v26 =	vld.idx.msk [tilespmem:v14+s13+$0x0], $0xffff;
	v14 =	vmovc v31  }
0xf1: {  	v17 =	vmul.f32 v29, v43;
	v20 =	vmul.f32 v44, v43;
	v31 =	vadd.f32 $0.0e+00, v16;
	v33 =	vld.idx.msk [tilespmem:v42+s17+$0x0], $0xffff  }
0xf2: {  	s0 =	sadd.s32 $0x800, s0;
	s15 =	smov.u32 s16;
	v39 =	vand.u32 $0x7F, v21;
	v37 =	vand.u32 $0xF80, v40;
	s1 =	sadd.s32 $0x100, s1;
	v16 =	vmul.f32 v44, v32;
	v36 =	vld.idx.msk [tilespmem:v35+s17+$0x0], $0xffff  }
0xf3: {  	_ = 	snop  }
0xf4: {  	v22 =	vor.u32 v22, v34  }
0xf5: {  	v39 =	vor.u32 v37, v39  }
0xf6: {  	v30 =	vor.u32 v37, v30  }
0xf7: {  	v50 =	vadd.s32 $0x480, v34;
	v21 =	vld.idx.msk [tilespmem:v21+s17+$0x0], $0xffff;
	v40 =	vadd.s32 $0x240, v22  }
0xf8: {  	v23 =	vld.idx.msk [tilespmem:v23+s17+$0x0], $0xffff;
	v51 =	vand.u32 $0x7F, v22;
	v34 =	vand.u32 $0xF80, v50  }
0xf9: {  	v35 =	vand.u32 $0x7F, v35;
	v37 =	vor.u32 v51, v34;
	v22 =	vld.idx.msk [tilespmem:v22+s17+$0x0], $0xffff  }
0xfa: {  	v34 =	vor.u32 v34, v35;
	v39 =	vld.idx.msk [tilespmem:v39+s17+$0x0], $0xffff  }
0xfb: {  	v53 =	vmov s29;
	v30 =	vld.idx.msk [tilespmem:v30+s17+$0x0], $0xffff  }
0xfc: {  	v29 =	vmul.f32 v29, v32;
	v52 =	vld.idx.msk [tilespmem:v40+s17+$0x0], $0xffff  }
0xfd: {  	v28 =	vld.idx.msk [tilespmem:v28+s17+$0x0], $0xffff;
	v33 =	vmul.f32 v17, v33;
	v21 =	vmul.f32 v20, v21  }
0xfe: {  	v27 =	vmul.f32 v17, v27;
	v55 =	vmul.f32 v16, v36;
	v37 =	vld.idx.msk [tilespmem:v37+s17+$0x0], $0xffff  }
0xff: {  	v23 =	vmul.f32 v20, v23;
	v21 =	vadd.f32 v21, v33;
	v54 =	vld.idx.msk [tilespmem:v34+s17+$0x0], $0xffff;
	v22 =	vmul.f32 v29, v22  }
0x100: {  	v56 =	vld.idx.msk [tilespmem:v53+s13+$0x0], $0xffff;
	v57 =	vmul.f32 v39, v20;
	v58 =	vmul.f32 v30, v17  }
0x101: {  	v23 =	vadd.f32 v23, v27;
	v35 =	vmul.f32 v29, v52;
	v21 =	vadd.f32 v21, v22  }
0x102: {  	v15 =	vadd.f32 v38, v15;
	v13 =	vld.idx.msk [tilespmem:v13+s13+$0x0], $0xffff;
	v59 =	vmul.f32 v16, v28;
	v17 =	vadd.f32 v57, v58  }
0x103: {  	v60 =	vmul.f32 v37, v29;
	v61 =	vadd.f32 v23, v35;
	v21 =	vadd.f32 v21, v55  }
0x104: {  	v19 =	vadd.f32 v19, v24;
	v14 =	vld.idx.msk [tilespmem:v14+s13+$0x0], $0xffff;
	v15 =	vmul.f32 v15, v25;
	v62 =	vmul.f32 v54, v16  }
0x105: {  	v17 =	vadd.f32 v60, v17;
	v20 =	vadd.f32 v61, v59;
	v21 =	vmul.f32 v21, v56  }
0x106: {  	v19 =	vmul.f32 v19, v26;
	v15 =	vadd.f32 v31, v15  }
0x107: {  	v16 =	vadd.f32 v62, v17;
	v13 =	vmul.f32 v20, v13;
	v21 =	vadd.f32 $0.0e+00, v21  }
0x108: {  	v63 =	vld [tilespmem:s1+$0x0]  }
0x109: {  	v15 =	vadd.f32 v15, v19;
	v14 =	vmul.f32 v16, v14;
	v13 =	vadd.f32 v21, v13;
	_ =	sdelay $0x1  }
0x10a: {  	s28 =	sadd.s32 $0x1, s28;
	v15 =	vmul.f32 v15, v18;
	v13 =	vadd.f32 v13, v14  }
0x10b: {  	p0 =	sne.s32 s28, $0x10  }
.Ltmp2:
0x10c: {  	v12 =	vadd.f32 v15, v12;
	v13 =	vmul.f32 v13, v63;
	(pc) =	sbr.rel @p0 .LBB2_5-.Ltmp2, $4  }
0x10d: {  	_ = 	snop  }
0x10e: {  	s0 =	sadd.s32 s31, s23;
	v12 =	vadd.f32 v13, v12  }
0x10f: {  	s0 =	sadd.s32 s30, s0  }
0x110: {  	s26 =	sadd.s32 $0x10, s26;
	s25 =	sadd.s32 $0x1, s25;
	[tilespmem:s0+$0x0] =	vst v12  }
0x111: {  	s22 =	sadd.s32 $0x1, s22  }
0x112: {  	p0 =	sne.s32 s22, $0x8  }
.Ltmp3:
0x113: {  	_ = 	snop;
	(pc) =	sbr.rel @p0 .LBB2_2-.Ltmp3, $2  }
0x114: {  	_ =	sdelay $0x2  }
0x115: {  	s21 =	sadd.s32 $0x900, s21;
	s20 =	sadd.s32 $0x1200, s20  }
0x116: {  	s19 =	sadd.s32 $0x1, s19  }
0x117: {  	p0 =	sne.s32 s19, s11  }
.Ltmp4:
0x118: {  	s0 =	simm.s32 $0x13F80;
	(pc) =	sbr.rel @p0 .LBB2_1-.Ltmp4, $4  }
0x119: {  	[hbm4b:s10+s2] =	stream.linear.scatter [tilespmem:s0], [sflag:$0x1], $0x800, $0x38;
	[tilespmem:$0x14780] =	vst v63  }
0x11a: {  	_ =	swait.ge [sflag:s12], $0x800  }
0x11b: {  	[sflag:s12] =	ssyncset.done $0x0  }
0x11c: {  	[sflag:s12] =	ssyncadd.s32 $0xFFFFF800  }
0x11d: {  	_ =	sfence.sel $0x180000  }
0x11e: {  	[bflag:$0x0] =	sbarrier.arrive $0xFFFF  }
0x11f: {  	_ =	strace $0x90000047  }
0x120: {  	s0 =	stileid.u32;
	[bflag:$0x2] =	sbarrier.arrive $0xFFFF  }
0x121: {  	p0 =	sne.s32 s0, $0x0;
	s0 =	rddreg [dreg:$0x2]  }
0x122: {  	s0 =	sadd.s32 @!p0 $0x100000, s0  }
0x123: {  	[sflag:s0] =	ssyncadd.tile.s32 @!p0 $0x1;
	_ =	shalt  }
.Lfunc_end2:
_tile_overlayer_lowered:
.L_overlay_start_2:
0x124: {  	(tag) =	ssettag $0x2  }
0x125: {  	s0 =	rddreg [dreg:$0x0];
	s2 =	stileid.u32  }
0x126: {  	s1 =	rddreg [dreg:$0x1];
	p0 =	sne.s32 s2, $0x0  }
0x127: {  	s3 =	rddreg [dreg:$0x2];
	[bflag:$0x3] =	sbarrier.arrive $0xFFFF;
	s2 =	simm.s32 @!p0 $0x1C01  }
0x128: {  	[timem:s3], [sflag:s2] =	dma.local @!p0 [hbm:s0], s1  }
0x129: {  	s0 =	simm.s32 @!p0 $0x1  }
0x12a: {  	_ =	swait.ge @!p0 [sflag:s0], s1  }
0x12b: {  	s1 =	ssub.s32 @!p0 $0x0, s1;
	[sflag:s0] =	ssyncset.done @!p0 $0x0  }
0x12c: {  	[sflag:s0] =	ssyncadd.s32 @!p0 s1  }
0x12d: {  	[bflag:$0x3] =	sbarrier.arrive $0xFFFF  }
0x12e: {  	_ =	shalt  }

</sc_bundles>
